<compile_context>
chip_gen: v7x
topology: tpu7x:2x2x1
jax: 0.10.2.dev20260603
libtpu: 0.0.44.dev20260713+nightly
codegen_flags: <defaults>
</compile_context>

<pallas_src>
import functools

import jax
import jax.numpy as jnp
from jax import lax
from jax.experimental import pallas as pl
from jax.experimental.pallas import tpu as pltpu
from jax.experimental.pallas import tpu_sc as plsc

N = 2
C = 128
D = H = W = 48
DHW = D * H * W
P = 100000

NC = 2
NS = 16
L = 16

PW = 6272
PB = PW * NS
NCHUNK = PW // L


def _axis_terms(c, d):
    g = 2.0 * c / (d - 1.0) - 1.0
    i = ((g + 1.0) * d - 1.0) / 2.0
    t = i.astype(jnp.int32)
    tf = t.astype(jnp.float32)
    i0 = jnp.where(tf > i, t - 1, t)
    i0f = i0.astype(jnp.float32)
    w1 = i - i0f
    w0 = (i0f + 1.0) - i
    i1 = i0 + 1
    v0 = (i0 >= 0) & (i0 <= d - 1)
    v1 = (i1 >= 0) & (i1 <= d - 1)
    w0 = jnp.where(v0, w0, 0.0)
    w1 = jnp.where(v1, w1, 0.0)
    i0c = jnp.clip(i0, 0, d - 1)
    i1c = jnp.clip(i1, 0, d - 1)
    return i0c, i1c, w0, w1


def _sc_body(table, coords, out, coords_v, idx_v, rows_v, out_v, wbuf, sem):
    batch = lax.axis_index("c")
    sub = lax.axis_index("s")

    pltpu.sync_copy(coords.at[batch, sub], coords_v)

    out_base = batch * PB + sub * PW

    def chunk_body(g, _):
        off = g * L
        x = coords_v[0, pl.ds(off, L)]
        y = coords_v[1, pl.ds(off, L)]
        z = coords_v[2, pl.ds(off, L)]
        x0, x1, wx0, wx1 = _axis_terms(x, W)
        y0, y1, wy0, wy1 = _axis_terms(y, H)
        z0, z1, wz0, wz1 = _axis_terms(z, D)

        base = batch * DHW
        corners = (
            (x0, y0, z0, wx0 * wy0 * wz0),
            (x1, y0, z0, wx1 * wy0 * wz0),
            (x0, y1, z0, wx0 * wy1 * wz0),
            (x1, y1, z0, wx1 * wy1 * wz0),
            (x0, y0, z1, wx0 * wy0 * wz1),
            (x1, y0, z1, wx1 * wy0 * wz1),
            (x0, y1, z1, wx0 * wy1 * wz1),
            (x1, y1, z1, wx1 * wy1 * wz1),
        )
        for ci, (xc, yc, zc, w) in enumerate(corners):
            idx_v[pl.ds(ci * L, L)] = base + (zc * H + yc) * W + xc
            wbuf[ci] = w

        pltpu.async_copy(table.at[idx_v], rows_v, sem).wait()

        w8 = [wbuf[ci] for ci in range(8)]

        def point_body(p, _):
            pvec = jnp.full((L,), p, dtype=jnp.int32)
            wb = [
                w8[ci].at[pvec].get(mode="promise_in_bounds")
                for ci in range(8)
            ]
            for j in range(C // L):
                acc = wb[0] * rows_v[p, pl.ds(j * L, L)]
                for ci in range(1, 8):
                    acc = acc + wb[ci] * rows_v[ci * L + p, pl.ds(j * L, L)]
                out_v[p, pl.ds(j * L, L)] = acc
            return 0

        lax.fori_loop(0, L, point_body, 0)

        pltpu.sync_copy(out_v, out.at[pl.ds(out_base + off, L)])
        return 0

    lax.fori_loop(0, NCHUNK, chunk_body, 0)


@jax.jit
def kernel(encoder_outputs, graph_coords):
    table = (
        encoder_outputs.reshape(N, C, DHW).transpose(0, 2, 1).reshape(N * DHW, C)
    )
    coords = graph_coords.reshape(N, P, 3)
    coords = jnp.pad(coords, ((0, 0), (0, PB - P), (0, 0)))
    coords = coords.reshape(N, NS, PW, 3).transpose(0, 1, 3, 2)

    mesh = plsc.VectorSubcoreMesh(core_axis_name="c", subcore_axis_name="s")
    run = pl.kernel(
        _sc_body,
        out_type=jax.ShapeDtypeStruct((N * PB, C), jnp.float32),
        mesh=mesh,
        scratch_types=[
            pltpu.VMEM((3, PW), jnp.float32),
            pltpu.VMEM((8 * L,), jnp.int32),
            pltpu.VMEM((8 * L, C), jnp.float32),
            pltpu.VMEM((L, C), jnp.float32),
            pltpu.VMEM((8, L), jnp.float32),
            pltpu.SemaphoreType.DMA,
        ],
    )
    out = run(table, coords)
    out = out.reshape(N, PB, C)[:, :P]
    return out.reshape(N, 1, 1, P, C)

# --- scband reference (transcript-rebuilt; emitter-appended) ---
"""Pipeline reference for scband-imageto-graph-9560597201236 (READ-ONLY COPY).

The authoritative reference and input builder live on the scoring server;
editing this copy changes nothing except your own understanding.
"""

import jax, jax.numpy as jnp
import numpy as np


def _grid_sample_3d(inp, grid):
    # Faithful port of torch.nn.functional.grid_sample for 5-D input:
    # mode='bilinear' (trilinear), padding_mode='zeros', align_corners=False.
    # grid[..., 0] -> x (W axis), grid[..., 1] -> y (H axis), grid[..., 2] -> z (D axis).
    N, C, D, H, W = inp.shape
    out_sp = grid.shape[1:4]
    g = grid.reshape(N, -1, 3)
    ix = ((g[..., 0] + 1.0) * W - 1.0) / 2.0
    iy = ((g[..., 1] + 1.0) * H - 1.0) / 2.0
    iz = ((g[..., 2] + 1.0) * D - 1.0) / 2.0
    x0 = jnp.floor(ix); y0 = jnp.floor(iy); z0 = jnp.floor(iz)
    x1 = x0 + 1.0; y1 = y0 + 1.0; z1 = z0 + 1.0
    flat = inp.reshape(N, C, D * H * W)

    def corner(xc, yc, zc, w):
        valid = (xc >= 0) & (xc <= W - 1) & (yc >= 0) & (yc <= H - 1) & (zc >= 0) & (zc <= D - 1)
        xi = jnp.clip(xc, 0, W - 1).astype(jnp.int32)
        yi = jnp.clip(yc, 0, H - 1).astype(jnp.int32)
        zi = jnp.clip(zc, 0, D - 1).astype(jnp.int32)
        idx = (zi * H + yi) * W + xi  # [N, P]
        vals = jax.vmap(lambda f, i: jnp.take(f, i, axis=1))(flat, idx)  # [N, C, P]
        return vals * (w * valid.astype(inp.dtype))[:, None, :]

    out = corner(x0, y0, z0, (x1 - ix) * (y1 - iy) * (z1 - iz))
    out = out + corner(x1, y0, z0, (ix - x0) * (y1 - iy) * (z1 - iz))
    out = out + corner(x0, y1, z0, (x1 - ix) * (iy - y0) * (z1 - iz))
    out = out + corner(x1, y1, z0, (ix - x0) * (iy - y0) * (z1 - iz))
    out = out + corner(x0, y0, z1, (x1 - ix) * (y1 - iy) * (iz - z0))
    out = out + corner(x1, y0, z1, (ix - x0) * (y1 - iy) * (iz - z0))
    out = out + corner(x0, y1, z1, (x1 - ix) * (iy - y0) * (iz - z0))
    out = out + corner(x1, y1, z1, (ix - x0) * (iy - y0) * (iz - z0))
    return out.reshape(N, C, out_sp[0], out_sp[1], out_sp[2])


def setup_inputs(seed: int = 0) -> dict:
    key = jax.random.key(seed)
    k1, k2 = jax.random.split(key)
    encoder_outputs = jax.random.normal(k1, (2, 128, 48, 48, 48), dtype=jnp.float32)
    # voxel-space coordinates in [0, dim-1] for each of the 3 spatial dims (cubic volume, 48)
    graph_coords = jax.random.uniform(k2, (2, 1, 1, 100000, 3), dtype=jnp.float32) * 47.0
    return {"encoder_outputs": encoder_outputs, "graph_coords": graph_coords}


def reference(encoder_outputs, graph_coords):
    spatial = encoder_outputs.shape[2:]
    grid = jnp.stack([2.0 * graph_coords[..., i] / (d - 1) - 1.0 for i, d in enumerate(spatial)], axis=-1)
    projection = _grid_sample_3d(encoder_outputs, grid)
    return jnp.transpose(projection, (0, 2, 3, 4, 1))

if __name__ == "__main__":
    import jax
    _d = setup_inputs()
    print(jax.jit(kernel)(*tuple(_d.values())))

</pallas_src>

<mosaic_0001>
#map = affine_map<(d0, d1) -> (0, 0)>
#map1 = affine_map<(d0, d1) -> (0, 0, 0, 0)>
module attributes {stable_mosaic.version = 14 : i64} {
  func.func @_sc_body(%arg0: i32, %arg1: i32, %arg2: memref<221184x128xf32, #tpu.memory_space<hbm>>, %arg3: memref<2x16x3x6272xf32, #tpu.memory_space<hbm>>, %arg4: memref<200704x128xf32, #tpu.memory_space<hbm>>, %arg5: memref<3x6272xf32, #tpu.memory_space<vmem>>, %arg6: memref<128xi32, #tpu.memory_space<vmem>>, %arg7: memref<128x128xf32, #tpu.memory_space<vmem>>, %arg8: memref<16x128xf32, #tpu.memory_space<vmem>>, %arg9: memref<8x16xf32, #tpu.memory_space<vmem>>, %arg10: memref<!tpu.dma_semaphore, #tpu.memory_space<semaphore_mem>>) attributes {dimension_semantics = [#tpu.dimension_semantics<core_parallel>, #tpu.dimension_semantics<subcore_parallel>], iteration_bounds = array<i64: 2, 16>, scalar_prefetch = 0 : i64, scratch_operands = 6 : i64, tpu.core_type = #tpu.core_type<sc_vector_subcore>, window_params = [{transform_indices = #map}, {transform_indices = #map1}, {transform_indices = #map}]} {
    "tpu.region"() ({
      %run_scoped3A = tpu.sem_alloc : memref<!tpu.dma_semaphore, #tpu.memory_space<semaphore_mem>>
      %dma_start3A = arith.constant 0 : i32
      %dma_start3A_9 = arith.constant 0 : i32
      %dma_start3A_10 = tpu.memref_slice %arg3[%arg0, %arg1, %dma_start3A, %dma_start3A_9] : memref<2x16x3x6272xf32, #tpu.memory_space<hbm>> -> memref<1x1x3x6272xf32, #tpu.memory_space<hbm>>
      %dma_start3A_11 = tpu.memref_squeeze %dma_start3A_10 : memref<1x1x3x6272xf32, #tpu.memory_space<hbm>> -> memref<3x6272xf32, #tpu.memory_space<hbm>>
      %dma_start3A_12 = arith.constant 0 : i32
      %dma_start3A_13 = arith.constant 0 : i32
      %dma_start3A_14 = tpu.memref_slice %arg3[%arg0, %arg1, %dma_start3A_12, %dma_start3A_13] : memref<2x16x3x6272xf32, #tpu.memory_space<hbm>> -> memref<1x1x3x6272xf32, #tpu.memory_space<hbm>>
      %dma_start3A_15 = tpu.memref_squeeze %dma_start3A_14 : memref<1x1x3x6272xf32, #tpu.memory_space<hbm>> -> memref<3x6272xf32, #tpu.memory_space<hbm>>
      tpu.enqueue_dma source(%dma_start3A_15 : memref<3x6272xf32, #tpu.memory_space<hbm>>) target(%arg5 : memref<3x6272xf32, #tpu.memory_space<vmem>>) target_semaphore(%run_scoped3A : memref<!tpu.dma_semaphore, #tpu.memory_space<semaphore_mem>>)
      %dma_wait3A = arith.constant 0 : i32
      %dma_wait3A_16 = arith.constant 0 : i32
      %dma_wait3A_17 = tpu.memref_slice %arg3[%arg0, %arg1, %dma_wait3A, %dma_wait3A_16] : memref<2x16x3x6272xf32, #tpu.memory_space<hbm>> -> memref<1x1x3x6272xf32, #tpu.memory_space<hbm>>
      %dma_wait3A_18 = tpu.memref_squeeze %dma_wait3A_17 : memref<1x1x3x6272xf32, #tpu.memory_space<hbm>> -> memref<3x6272xf32, #tpu.memory_space<hbm>>
      %dma_wait3A_19 = arith.constant 0 : i32
      %dma_wait3A_20 = arith.constant 0 : i32
      %dma_wait3A_21 = tpu.memref_slice %arg3[%arg0, %arg1, %dma_wait3A_19, %dma_wait3A_20] : memref<2x16x3x6272xf32, #tpu.memory_space<hbm>> -> memref<1x1x3x6272xf32, #tpu.memory_space<hbm>>
      %dma_wait3A_22 = tpu.memref_squeeze %dma_wait3A_21 : memref<1x1x3x6272xf32, #tpu.memory_space<hbm>> -> memref<3x6272xf32, #tpu.memory_space<hbm>>
      tpu.wait_dma2 semaphore(%run_scoped3A : memref<!tpu.dma_semaphore, #tpu.memory_space<semaphore_mem>>) src(%dma_wait3A_22 : memref<3x6272xf32, #tpu.memory_space<hbm>>) dst(%arg5 : memref<3x6272xf32, #tpu.memory_space<vmem>>)
      tpu.yield
    }) : () -> ()
    %mul3A = arith.constant 100352 : i32
    %mul3A_0 = arith.muli %arg0, %mul3A : i32
    %mul3A_1 = arith.constant 6272 : i32
    %mul3A_2 = arith.muli %arg1, %mul3A_1 : i32
    %add3A = arith.addi %mul3A_0, %mul3A_2 : i32
    %scan3A = arith.constant 0 : i32
    %scan3A_3 = arith.constant 0 : i32
    %scan3A_4 = arith.constant 392 : i32
    %scan3A_5 = arith.addi %scan3A_3, %scan3A_4 : i32
    %scan3A_6 = arith.constant 1 : i32
    %scan3A_7 = scf.for %scan3A_9 = %scan3A_3 to %scan3A_5 step %scan3A_6 iter_args(%scan3A_10 = %scan3A) -> (i32)  : i32 {
      %mul3A_11 = arith.constant 16 : i32
      %mul3A_12 = arith.muli %scan3A_9, %mul3A_11 : i32
      %get3A = arith.constant 0 : i32
      %get3A_13 = arith.index_cast %get3A : i32 to index
      %get3A_14 = arith.index_cast %mul3A_12 : i32 to index
      %get3A_15 = tpu.vector_load %arg5[%get3A_13, %get3A_14] {strides = array<i32>} : memref<3x6272xf32, #tpu.memory_space<vmem>>, vector<1x16xf32>,
      %get3A_16 = vector.shape_cast %get3A_15 : vector<1x16xf32> to vector<16xf32>
      %get3A_17 = arith.constant 1 : i32
      %get3A_18 = arith.index_cast %get3A_17 : i32 to index
      %get3A_19 = arith.index_cast %mul3A_12 : i32 to index
      %get3A_20 = tpu.vector_load %arg5[%get3A_18, %get3A_19] {strides = array<i32>} : memref<3x6272xf32, #tpu.memory_space<vmem>>, vector<1x16xf32>,
      %get3A_21 = vector.shape_cast %get3A_20 : vector<1x16xf32> to vector<16xf32>
      %get3A_22 = arith.constant 2 : i32
      %get3A_23 = arith.index_cast %get3A_22 : i32 to index
      %get3A_24 = arith.index_cast %mul3A_12 : i32 to index
      %get3A_25 = tpu.vector_load %arg5[%get3A_23, %get3A_24] {strides = array<i32>} : memref<3x6272xf32, #tpu.memory_space<vmem>>, vector<1x16xf32>,
      %get3A_26 = vector.shape_cast %get3A_25 : vector<1x16xf32> to vector<16xf32>
      %mul3A_27 = arith.constant 2.000000e+00 : f32
      %mul3A_28 = vector.broadcast %mul3A_27 : f32 to vector<16xf32>
      %mul3A_29 = arith.mulf %mul3A_28, %get3A_16 : vector<16xf32>
      %div3A = arith.constant 4.700000e+01 : f32
      %div3A_30 = vector.broadcast %div3A : f32 to vector<16xf32>
      %div3A_31 = arith.divf %mul3A_29, %div3A_30 : vector<16xf32>
      %sub3A = arith.constant 1.000000e+00 : f32
      %sub3A_32 = vector.broadcast %sub3A : f32 to vector<16xf32>
      %sub3A_33 = arith.subf %div3A_31, %sub3A_32 : vector<16xf32>
      %add3A_34 = arith.constant 1.000000e+00 : f32
      %add3A_35 = vector.broadcast %add3A_34 : f32 to vector<16xf32>
      %add3A_36 = arith.addf %sub3A_33, %add3A_35 : vector<16xf32>
      %mul3A_37 = arith.constant 4.800000e+01 : f32
      %mul3A_38 = vector.broadcast %mul3A_37 : f32 to vector<16xf32>
      %mul3A_39 = arith.mulf %add3A_36, %mul3A_38 : vector<16xf32>
      %sub3A_40 = arith.constant 1.000000e+00 : f32
      %sub3A_41 = vector.broadcast %sub3A_40 : f32 to vector<16xf32>
      %sub3A_42 = arith.subf %mul3A_39, %sub3A_41 : vector<16xf32>
      %div3A_43 = arith.constant 2.000000e+00 : f32
      %div3A_44 = vector.broadcast %div3A_43 : f32 to vector<16xf32>
      %div3A_45 = arith.divf %sub3A_42, %div3A_44 : vector<16xf32>
      %convert_element_type3A = arith.fptosi %div3A_45 : vector<16xf32> to vector<16xi32>
      %convert_element_type3A_46 = arith.sitofp %convert_element_type3A : vector<16xi32> to vector<16xf32>
      %gt3A = arith.cmpf ogt, %convert_element_type3A_46, %div3A_45 : vector<16xf32>
      %sub3A_47 = arith.constant 1 : i32
      %sub3A_48 = vector.broadcast %sub3A_47 : i32 to vector<16xi32>
      %sub3A_49 = arith.subi %convert_element_type3A, %sub3A_48 : vector<16xi32>
      %select_n3A = arith.select %gt3A, %sub3A_49, %convert_element_type3A : vector<16xi1>, vector<16xi32>
      %convert_element_type3A_50 = arith.sitofp %select_n3A : vector<16xi32> to vector<16xf32>
      %sub3A_51 = arith.subf %div3A_45, %convert_element_type3A_50 : vector<16xf32>
      %add3A_52 = arith.constant 1.000000e+00 : f32
      %add3A_53 = vector.broadcast %add3A_52 : f32 to vector<16xf32>
      %add3A_54 = arith.addf %convert_element_type3A_50, %add3A_53 : vector<16xf32>
      %sub3A_55 = arith.subf %add3A_54, %div3A_45 : vector<16xf32>
      %add3A_56 = arith.constant 1 : i32
      %add3A_57 = vector.broadcast %add3A_56 : i32 to vector<16xi32>
      %add3A_58 = arith.addi %select_n3A, %add3A_57 : vector<16xi32>
      %ge3A = arith.constant 0 : i32
      %ge3A_59 = vector.broadcast %ge3A : i32 to vector<16xi32>
      %ge3A_60 = arith.cmpi sge, %select_n3A, %ge3A_59 : vector<16xi32>
      %le3A = arith.constant 47 : i32
      %le3A_61 = vector.broadcast %le3A : i32 to vector<16xi32>
      %le3A_62 = arith.cmpi sle, %select_n3A, %le3A_61 : vector<16xi32>
      %and3A = arith.andi %ge3A_60, %le3A_62 : vector<16xi1>
      %ge3A_63 = arith.constant 0 : i32
      %ge3A_64 = vector.broadcast %ge3A_63 : i32 to vector<16xi32>
      %ge3A_65 = arith.cmpi sge, %add3A_58, %ge3A_64 : vector<16xi32>
      %le3A_66 = arith.constant 47 : i32
      %le3A_67 = vector.broadcast %le3A_66 : i32 to vector<16xi32>
      %le3A_68 = arith.cmpi sle, %add3A_58, %le3A_67 : vector<16xi32>
      %and3A_69 = arith.andi %ge3A_65, %le3A_68 : vector<16xi1>
      %jit3A = arith.constant 0.000000e+00 : f32
      %broadcast_in_dim3A = vector.broadcast %jit3A : f32 to vector<16xf32>
      %select_n3A_70 = arith.select %and3A, %sub3A_55, %broadcast_in_dim3A : vector<16xi1>, vector<16xf32>
      %jit3A_71 = arith.constant 0.000000e+00 : f32
      %broadcast_in_dim3A_72 = vector.broadcast %jit3A_71 : f32 to vector<16xf32>
      %select_n3A_73 = arith.select %and3A_69, %sub3A_51, %broadcast_in_dim3A_72 : vector<16xi1>, vector<16xf32>
      %jit3A_74 = arith.constant 0 : i32
      %jit3A_75 = arith.constant 47 : i32
      %max3A = vector.broadcast %jit3A_74 : i32 to vector<16xi32>
      %max3A_76 = arith.maxsi %max3A, %select_n3A : vector<16xi32>
      %min3A = vector.broadcast %jit3A_75 : i32 to vector<16xi32>
      %min3A_77 = arith.minsi %min3A, %max3A_76 : vector<16xi32>
      %jit3A_78 = arith.constant 0 : i32
      %jit3A_79 = arith.constant 47 : i32
      %max3A_80 = vector.broadcast %jit3A_78 : i32 to vector<16xi32>
      %max3A_81 = arith.maxsi %max3A_80, %add3A_58 : vector<16xi32>
      %min3A_82 = vector.broadcast %jit3A_79 : i32 to vector<16xi32>
      %min3A_83 = arith.minsi %min3A_82, %max3A_81 : vector<16xi32>
      %mul3A_84 = arith.constant 2.000000e+00 : f32
      %mul3A_85 = vector.broadcast %mul3A_84 : f32 to vector<16xf32>
      %mul3A_86 = arith.mulf %mul3A_85, %get3A_21 : vector<16xf32>
      %div3A_87 = arith.constant 4.700000e+01 : f32
      %div3A_88 = vector.broadcast %div3A_87 : f32 to vector<16xf32>
      %div3A_89 = arith.divf %mul3A_86, %div3A_88 : vector<16xf32>
      %sub3A_90 = arith.constant 1.000000e+00 : f32
      %sub3A_91 = vector.broadcast %sub3A_90 : f32 to vector<16xf32>
      %sub3A_92 = arith.subf %div3A_89, %sub3A_91 : vector<16xf32>
      %add3A_93 = arith.constant 1.000000e+00 : f32
      %add3A_94 = vector.broadcast %add3A_93 : f32 to vector<16xf32>
      %add3A_95 = arith.addf %sub3A_92, %add3A_94 : vector<16xf32>
      %mul3A_96 = arith.constant 4.800000e+01 : f32
      %mul3A_97 = vector.broadcast %mul3A_96 : f32 to vector<16xf32>
      %mul3A_98 = arith.mulf %add3A_95, %mul3A_97 : vector<16xf32>
      %sub3A_99 = arith.constant 1.000000e+00 : f32
      %sub3A_100 = vector.broadcast %sub3A_99 : f32 to vector<16xf32>
      %sub3A_101 = arith.subf %mul3A_98, %sub3A_100 : vector<16xf32>
      %div3A_102 = arith.constant 2.000000e+00 : f32
      %div3A_103 = vector.broadcast %div3A_102 : f32 to vector<16xf32>
      %div3A_104 = arith.divf %sub3A_101, %div3A_103 : vector<16xf32>
      %convert_element_type3A_105 = arith.fptosi %div3A_104 : vector<16xf32> to vector<16xi32>
      %convert_element_type3A_106 = arith.sitofp %convert_element_type3A_105 : vector<16xi32> to vector<16xf32>
      %gt3A_107 = arith.cmpf ogt, %convert_element_type3A_106, %div3A_104 : vector<16xf32>
      %sub3A_108 = arith.constant 1 : i32
      %sub3A_109 = vector.broadcast %sub3A_108 : i32 to vector<16xi32>
      %sub3A_110 = arith.subi %convert_element_type3A_105, %sub3A_109 : vector<16xi32>
      %select_n3A_111 = arith.select %gt3A_107, %sub3A_110, %convert_element_type3A_105 : vector<16xi1>, vector<16xi32>
      %convert_element_type3A_112 = arith.sitofp %select_n3A_111 : vector<16xi32> to vector<16xf32>
      %sub3A_113 = arith.subf %div3A_104, %convert_element_type3A_112 : vector<16xf32>
      %add3A_114 = arith.constant 1.000000e+00 : f32
      %add3A_115 = vector.broadcast %add3A_114 : f32 to vector<16xf32>
      %add3A_116 = arith.addf %convert_element_type3A_112, %add3A_115 : vector<16xf32>
      %sub3A_117 = arith.subf %add3A_116, %div3A_104 : vector<16xf32>
      %add3A_118 = arith.constant 1 : i32
      %add3A_119 = vector.broadcast %add3A_118 : i32 to vector<16xi32>
      %add3A_120 = arith.addi %select_n3A_111, %add3A_119 : vector<16xi32>
      %ge3A_121 = arith.constant 0 : i32
      %ge3A_122 = vector.broadcast %ge3A_121 : i32 to vector<16xi32>
      %ge3A_123 = arith.cmpi sge, %select_n3A_111, %ge3A_122 : vector<16xi32>
      %le3A_124 = arith.constant 47 : i32
      %le3A_125 = vector.broadcast %le3A_124 : i32 to vector<16xi32>
      %le3A_126 = arith.cmpi sle, %select_n3A_111, %le3A_125 : vector<16xi32>
      %and3A_127 = arith.andi %ge3A_123, %le3A_126 : vector<16xi1>
      %ge3A_128 = arith.constant 0 : i32
      %ge3A_129 = vector.broadcast %ge3A_128 : i32 to vector<16xi32>
      %ge3A_130 = arith.cmpi sge, %add3A_120, %ge3A_129 : vector<16xi32>
      %le3A_131 = arith.constant 47 : i32
      %le3A_132 = vector.broadcast %le3A_131 : i32 to vector<16xi32>
      %le3A_133 = arith.cmpi sle, %add3A_120, %le3A_132 : vector<16xi32>
      %and3A_134 = arith.andi %ge3A_130, %le3A_133 : vector<16xi1>
      %jit3A_135 = arith.constant 0.000000e+00 : f32
      %broadcast_in_dim3A_136 = vector.broadcast %jit3A_135 : f32 to vector<16xf32>
      %select_n3A_137 = arith.select %and3A_127, %sub3A_117, %broadcast_in_dim3A_136 : vector<16xi1>, vector<16xf32>
      %jit3A_138 = arith.constant 0.000000e+00 : f32
      %broadcast_in_dim3A_139 = vector.broadcast %jit3A_138 : f32 to vector<16xf32>
      %select_n3A_140 = arith.select %and3A_134, %sub3A_113, %broadcast_in_dim3A_139 : vector<16xi1>, vector<16xf32>
      %jit3A_141 = arith.constant 0 : i32
      %jit3A_142 = arith.constant 47 : i32
      %max3A_143 = vector.broadcast %jit3A_141 : i32 to vector<16xi32>
      %max3A_144 = arith.maxsi %max3A_143, %select_n3A_111 : vector<16xi32>
      %min3A_145 = vector.broadcast %jit3A_142 : i32 to vector<16xi32>
      %min3A_146 = arith.minsi %min3A_145, %max3A_144 : vector<16xi32>
      %jit3A_147 = arith.constant 0 : i32
      %jit3A_148 = arith.constant 47 : i32
      %max3A_149 = vector.broadcast %jit3A_147 : i32 to vector<16xi32>
      %max3A_150 = arith.maxsi %max3A_149, %add3A_120 : vector<16xi32>
      %min3A_151 = vector.broadcast %jit3A_148 : i32 to vector<16xi32>
      %min3A_152 = arith.minsi %min3A_151, %max3A_150 : vector<16xi32>
      %mul3A_153 = arith.constant 2.000000e+00 : f32
      %mul3A_154 = vector.broadcast %mul3A_153 : f32 to vector<16xf32>
      %mul3A_155 = arith.mulf %mul3A_154, %get3A_26 : vector<16xf32>
      %div3A_156 = arith.constant 4.700000e+01 : f32
      %div3A_157 = vector.broadcast %div3A_156 : f32 to vector<16xf32>
      %div3A_158 = arith.divf %mul3A_155, %div3A_157 : vector<16xf32>
      %sub3A_159 = arith.constant 1.000000e+00 : f32
      %sub3A_160 = vector.broadcast %sub3A_159 : f32 to vector<16xf32>
      %sub3A_161 = arith.subf %div3A_158, %sub3A_160 : vector<16xf32>
      %add3A_162 = arith.constant 1.000000e+00 : f32
      %add3A_163 = vector.broadcast %add3A_162 : f32 to vector<16xf32>
      %add3A_164 = arith.addf %sub3A_161, %add3A_163 : vector<16xf32>
      %mul3A_165 = arith.constant 4.800000e+01 : f32
      %mul3A_166 = vector.broadcast %mul3A_165 : f32 to vector<16xf32>
      %mul3A_167 = arith.mulf %add3A_164, %mul3A_166 : vector<16xf32>
      %sub3A_168 = arith.constant 1.000000e+00 : f32
      %sub3A_169 = vector.broadcast %sub3A_168 : f32 to vector<16xf32>
      %sub3A_170 = arith.subf %mul3A_167, %sub3A_169 : vector<16xf32>
      %div3A_171 = arith.constant 2.000000e+00 : f32
      %div3A_172 = vector.broadcast %div3A_171 : f32 to vector<16xf32>
      %div3A_173 = arith.divf %sub3A_170, %div3A_172 : vector<16xf32>
      %convert_element_type3A_174 = arith.fptosi %div3A_173 : vector<16xf32> to vector<16xi32>
      %convert_element_type3A_175 = arith.sitofp %convert_element_type3A_174 : vector<16xi32> to vector<16xf32>
      %gt3A_176 = arith.cmpf ogt, %convert_element_type3A_175, %div3A_173 : vector<16xf32>
      %sub3A_177 = arith.constant 1 : i32
      %sub3A_178 = vector.broadcast %sub3A_177 : i32 to vector<16xi32>
      %sub3A_179 = arith.subi %convert_element_type3A_174, %sub3A_178 : vector<16xi32>
      %select_n3A_180 = arith.select %gt3A_176, %sub3A_179, %convert_element_type3A_174 : vector<16xi1>, vector<16xi32>
      %convert_element_type3A_181 = arith.sitofp %select_n3A_180 : vector<16xi32> to vector<16xf32>
      %sub3A_182 = arith.subf %div3A_173, %convert_element_type3A_181 : vector<16xf32>
      %add3A_183 = arith.constant 1.000000e+00 : f32
      %add3A_184 = vector.broadcast %add3A_183 : f32 to vector<16xf32>
      %add3A_185 = arith.addf %convert_element_type3A_181, %add3A_184 : vector<16xf32>
      %sub3A_186 = arith.subf %add3A_185, %div3A_173 : vector<16xf32>
      %add3A_187 = arith.constant 1 : i32
      %add3A_188 = vector.broadcast %add3A_187 : i32 to vector<16xi32>
      %add3A_189 = arith.addi %select_n3A_180, %add3A_188 : vector<16xi32>
      %ge3A_190 = arith.constant 0 : i32
      %ge3A_191 = vector.broadcast %ge3A_190 : i32 to vector<16xi32>
      %ge3A_192 = arith.cmpi sge, %select_n3A_180, %ge3A_191 : vector<16xi32>
      %le3A_193 = arith.constant 47 : i32
      %le3A_194 = vector.broadcast %le3A_193 : i32 to vector<16xi32>
      %le3A_195 = arith.cmpi sle, %select_n3A_180, %le3A_194 : vector<16xi32>
      %and3A_196 = arith.andi %ge3A_192, %le3A_195 : vector<16xi1>
      %ge3A_197 = arith.constant 0 : i32
      %ge3A_198 = vector.broadcast %ge3A_197 : i32 to vector<16xi32>
      %ge3A_199 = arith.cmpi sge, %add3A_189, %ge3A_198 : vector<16xi32>
      %le3A_200 = arith.constant 47 : i32
      %le3A_201 = vector.broadcast %le3A_200 : i32 to vector<16xi32>
      %le3A_202 = arith.cmpi sle, %add3A_189, %le3A_201 : vector<16xi32>
      %and3A_203 = arith.andi %ge3A_199, %le3A_202 : vector<16xi1>
      %jit3A_204 = arith.constant 0.000000e+00 : f32
      %broadcast_in_dim3A_205 = vector.broadcast %jit3A_204 : f32 to vector<16xf32>
      %select_n3A_206 = arith.select %and3A_196, %sub3A_186, %broadcast_in_dim3A_205 : vector<16xi1>, vector<16xf32>
      %jit3A_207 = arith.constant 0.000000e+00 : f32
      %broadcast_in_dim3A_208 = vector.broadcast %jit3A_207 : f32 to vector<16xf32>
      %select_n3A_209 = arith.select %and3A_203, %sub3A_182, %broadcast_in_dim3A_208 : vector<16xi1>, vector<16xf32>
      %jit3A_210 = arith.constant 0 : i32
      %jit3A_211 = arith.constant 47 : i32
      %max3A_212 = vector.broadcast %jit3A_210 : i32 to vector<16xi32>
      %max3A_213 = arith.maxsi %max3A_212, %select_n3A_180 : vector<16xi32>
      %min3A_214 = vector.broadcast %jit3A_211 : i32 to vector<16xi32>
      %min3A_215 = arith.minsi %min3A_214, %max3A_213 : vector<16xi32>
      %jit3A_216 = arith.constant 0 : i32
      %jit3A_217 = arith.constant 47 : i32
      %max3A_218 = vector.broadcast %jit3A_216 : i32 to vector<16xi32>
      %max3A_219 = arith.maxsi %max3A_218, %add3A_189 : vector<16xi32>
      %min3A_220 = vector.broadcast %jit3A_217 : i32 to vector<16xi32>
      %min3A_221 = arith.minsi %min3A_220, %max3A_219 : vector<16xi32>
      %mul3A_222 = arith.constant 110592 : i32
      %mul3A_223 = arith.muli %arg0, %mul3A_222 : i32
      %mul3A_224 = arith.mulf %select_n3A_70, %select_n3A_137 : vector<16xf32>
      %mul3A_225 = arith.mulf %mul3A_224, %select_n3A_206 : vector<16xf32>
      %mul3A_226 = arith.mulf %select_n3A_73, %select_n3A_137 : vector<16xf32>
      %mul3A_227 = arith.mulf %mul3A_226, %select_n3A_206 : vector<16xf32>
      %mul3A_228 = arith.mulf %select_n3A_70, %select_n3A_140 : vector<16xf32>
      %mul3A_229 = arith.mulf %mul3A_228, %select_n3A_206 : vector<16xf32>
      %mul3A_230 = arith.mulf %select_n3A_73, %select_n3A_140 : vector<16xf32>
      %mul3A_231 = arith.mulf %mul3A_230, %select_n3A_206 : vector<16xf32>
      %mul3A_232 = arith.mulf %select_n3A_70, %select_n3A_137 : vector<16xf32>
      %mul3A_233 = arith.mulf %mul3A_232, %select_n3A_209 : vector<16xf32>
      %mul3A_234 = arith.mulf %select_n3A_73, %select_n3A_137 : vector<16xf32>
      %mul3A_235 = arith.mulf %mul3A_234, %select_n3A_209 : vector<16xf32>
      %mul3A_236 = arith.mulf %select_n3A_70, %select_n3A_140 : vector<16xf32>
      %mul3A_237 = arith.mulf %mul3A_236, %select_n3A_209 : vector<16xf32>
      %mul3A_238 = arith.mulf %select_n3A_73, %select_n3A_140 : vector<16xf32>
      %mul3A_239 = arith.mulf %mul3A_238, %select_n3A_209 : vector<16xf32>
      %mul3A_240 = arith.constant 48 : i32
      %mul3A_241 = vector.broadcast %mul3A_240 : i32 to vector<16xi32>
      %mul3A_242 = arith.muli %min3A_215, %mul3A_241 : vector<16xi32>
      %add3A_243 = arith.addi %mul3A_242, %min3A_146 : vector<16xi32>
      %mul3A_244 = arith.constant 48 : i32
      %mul3A_245 = vector.broadcast %mul3A_244 : i32 to vector<16xi32>
      %mul3A_246 = arith.muli %add3A_243, %mul3A_245 : vector<16xi32>
      %add3A_247 = vector.broadcast %mul3A_223 : i32 to vector<16xi32>
      %add3A_248 = arith.addi %add3A_247, %mul3A_246 : vector<16xi32>
      %add3A_249 = arith.addi %add3A_248, %min3A_77 : vector<16xi32>
      %swap3A = arith.constant 0 : index
      %swap3A_250 = tpu.vector_load %arg6[%swap3A] {strides = array<i32>} : memref<128xi32, #tpu.memory_space<vmem>>, vector<16xi32>,
      %swap3A_251 = vector.shape_cast %swap3A_250 : vector<16xi32> to vector<16xi32>
      %swap3A_252 = vector.shape_cast %add3A_249 : vector<16xi32> to vector<16xi32>
      tpu.vector_store %arg6[%swap3A], %swap3A_252 {strides = array<i32>} : memref<128xi32, #tpu.memory_space<vmem>>, vector<16xi32>,
      %swap3A_253 = arith.constant 0 : i32
      %swap3A_254 = arith.index_cast %swap3A_253 : i32 to index
      %swap3A_255 = arith.constant 0 : index
      %swap3A_256 = tpu.vector_load %arg9[%swap3A_254, %swap3A_255] {strides = array<i32>} : memref<8x16xf32, #tpu.memory_space<vmem>>, vector<1x16xf32>,
      %swap3A_257 = vector.shape_cast %swap3A_256 : vector<1x16xf32> to vector<16xf32>
      %swap3A_258 = vector.shape_cast %mul3A_225 : vector<16xf32> to vector<1x16xf32>
      tpu.vector_store %arg9[%swap3A_254, %swap3A_255], %swap3A_258 {strides = array<i32>} : memref<8x16xf32, #tpu.memory_space<vmem>>, vector<1x16xf32>,
      %mul3A_259 = arith.constant 48 : i32
      %mul3A_260 = vector.broadcast %mul3A_259 : i32 to vector<16xi32>
      %mul3A_261 = arith.muli %min3A_215, %mul3A_260 : vector<16xi32>
      %add3A_262 = arith.addi %mul3A_261, %min3A_146 : vector<16xi32>
      %mul3A_263 = arith.constant 48 : i32
      %mul3A_264 = vector.broadcast %mul3A_263 : i32 to vector<16xi32>
      %mul3A_265 = arith.muli %add3A_262, %mul3A_264 : vector<16xi32>
      %add3A_266 = vector.broadcast %mul3A_223 : i32 to vector<16xi32>
      %add3A_267 = arith.addi %add3A_266, %mul3A_265 : vector<16xi32>
      %add3A_268 = arith.addi %add3A_267, %min3A_83 : vector<16xi32>
      %swap3A_269 = arith.constant 16 : index
      %swap3A_270 = tpu.vector_load %arg6[%swap3A_269] {strides = array<i32>} : memref<128xi32, #tpu.memory_space<vmem>>, vector<16xi32>,
      %swap3A_271 = vector.shape_cast %swap3A_270 : vector<16xi32> to vector<16xi32>
      %swap3A_272 = vector.shape_cast %add3A_268 : vector<16xi32> to vector<16xi32>
      tpu.vector_store %arg6[%swap3A_269], %swap3A_272 {strides = array<i32>} : memref<128xi32, #tpu.memory_space<vmem>>, vector<16xi32>,
      %swap3A_273 = arith.constant 1 : i32
      %swap3A_274 = arith.index_cast %swap3A_273 : i32 to index
      %swap3A_275 = arith.constant 0 : index
      %swap3A_276 = tpu.vector_load %arg9[%swap3A_274, %swap3A_275] {strides = array<i32>} : memref<8x16xf32, #tpu.memory_space<vmem>>, vector<1x16xf32>,
      %swap3A_277 = vector.shape_cast %swap3A_276 : vector<1x16xf32> to vector<16xf32>
      %swap3A_278 = vector.shape_cast %mul3A_227 : vector<16xf32> to vector<1x16xf32>
      tpu.vector_store %arg9[%swap3A_274, %swap3A_275], %swap3A_278 {strides = array<i32>} : memref<8x16xf32, #tpu.memory_space<vmem>>, vector<1x16xf32>,
      %mul3A_279 = arith.constant 48 : i32
      %mul3A_280 = vector.broadcast %mul3A_279 : i32 to vector<16xi32>
      %mul3A_281 = arith.muli %min3A_215, %mul3A_280 : vector<16xi32>
      %add3A_282 = arith.addi %mul3A_281, %min3A_152 : vector<16xi32>
      %mul3A_283 = arith.constant 48 : i32
      %mul3A_284 = vector.broadcast %mul3A_283 : i32 to vector<16xi32>
      %mul3A_285 = arith.muli %add3A_282, %mul3A_284 : vector<16xi32>
      %add3A_286 = vector.broadcast %mul3A_223 : i32 to vector<16xi32>
      %add3A_287 = arith.addi %add3A_286, %mul3A_285 : vector<16xi32>
      %add3A_288 = arith.addi %add3A_287, %min3A_77 : vector<16xi32>
      %swap3A_289 = arith.constant 32 : index
      %swap3A_290 = tpu.vector_load %arg6[%swap3A_289] {strides = array<i32>} : memref<128xi32, #tpu.memory_space<vmem>>, vector<16xi32>,
      %swap3A_291 = vector.shape_cast %swap3A_290 : vector<16xi32> to vector<16xi32>
      %swap3A_292 = vector.shape_cast %add3A_288 : vector<16xi32> to vector<16xi32>
      tpu.vector_store %arg6[%swap3A_289], %swap3A_292 {strides = array<i32>} : memref<128xi32, #tpu.memory_space<vmem>>, vector<16xi32>,
      %swap3A_293 = arith.constant 2 : i32
      %swap3A_294 = arith.index_cast %swap3A_293 : i32 to index
      %swap3A_295 = arith.constant 0 : index
      %swap3A_296 = tpu.vector_load %arg9[%swap3A_294, %swap3A_295] {strides = array<i32>} : memref<8x16xf32, #tpu.memory_space<vmem>>, vector<1x16xf32>,
      %swap3A_297 = vector.shape_cast %swap3A_296 : vector<1x16xf32> to vector<16xf32>
      %swap3A_298 = vector.shape_cast %mul3A_229 : vector<16xf32> to vector<1x16xf32>
      tpu.vector_store %arg9[%swap3A_294, %swap3A_295], %swap3A_298 {strides = array<i32>} : memref<8x16xf32, #tpu.memory_space<vmem>>, vector<1x16xf32>,
      %mul3A_299 = arith.constant 48 : i32
      %mul3A_300 = vector.broadcast %mul3A_299 : i32 to vector<16xi32>
      %mul3A_301 = arith.muli %min3A_215, %mul3A_300 : vector<16xi32>
      %add3A_302 = arith.addi %mul3A_301, %min3A_152 : vector<16xi32>
      %mul3A_303 = arith.constant 48 : i32
      %mul3A_304 = vector.broadcast %mul3A_303 : i32 to vector<16xi32>
      %mul3A_305 = arith.muli %add3A_302, %mul3A_304 : vector<16xi32>
      %add3A_306 = vector.broadcast %mul3A_223 : i32 to vector<16xi32>
      %add3A_307 = arith.addi %add3A_306, %mul3A_305 : vector<16xi32>
      %add3A_308 = arith.addi %add3A_307, %min3A_83 : vector<16xi32>
      %swap3A_309 = arith.constant 48 : index
      %swap3A_310 = tpu.vector_load %arg6[%swap3A_309] {strides = array<i32>} : memref<128xi32, #tpu.memory_space<vmem>>, vector<16xi32>,
      %swap3A_311 = vector.shape_cast %swap3A_310 : vector<16xi32> to vector<16xi32>
      %swap3A_312 = vector.shape_cast %add3A_308 : vector<16xi32> to vector<16xi32>
      tpu.vector_store %arg6[%swap3A_309], %swap3A_312 {strides = array<i32>} : memref<128xi32, #tpu.memory_space<vmem>>, vector<16xi32>,
      %swap3A_313 = arith.constant 3 : i32
      %swap3A_314 = arith.index_cast %swap3A_313 : i32 to index
      %swap3A_315 = arith.constant 0 : index
      %swap3A_316 = tpu.vector_load %arg9[%swap3A_314, %swap3A_315] {strides = array<i32>} : memref<8x16xf32, #tpu.memory_space<vmem>>, vector<1x16xf32>,
      %swap3A_317 = vector.shape_cast %swap3A_316 : vector<1x16xf32> to vector<16xf32>
      %swap3A_318 = vector.shape_cast %mul3A_231 : vector<16xf32> to vector<1x16xf32>
      tpu.vector_store %arg9[%swap3A_314, %swap3A_315], %swap3A_318 {strides = array<i32>} : memref<8x16xf32, #tpu.memory_space<vmem>>, vector<1x16xf32>,
      %mul3A_319 = arith.constant 48 : i32
      %mul3A_320 = vector.broadcast %mul3A_319 : i32 to vector<16xi32>
      %mul3A_321 = arith.muli %min3A_221, %mul3A_320 : vector<16xi32>
      %add3A_322 = arith.addi %mul3A_321, %min3A_146 : vector<16xi32>
      %mul3A_323 = arith.constant 48 : i32
      %mul3A_324 = vector.broadcast %mul3A_323 : i32 to vector<16xi32>
      %mul3A_325 = arith.muli %add3A_322, %mul3A_324 : vector<16xi32>
      %add3A_326 = vector.broadcast %mul3A_223 : i32 to vector<16xi32>
      %add3A_327 = arith.addi %add3A_326, %mul3A_325 : vector<16xi32>
      %add3A_328 = arith.addi %add3A_327, %min3A_77 : vector<16xi32>
      %swap3A_329 = arith.constant 64 : index
      %swap3A_330 = tpu.vector_load %arg6[%swap3A_329] {strides = array<i32>} : memref<128xi32, #tpu.memory_space<vmem>>, vector<16xi32>,
      %swap3A_331 = vector.shape_cast %swap3A_330 : vector<16xi32> to vector<16xi32>
      %swap3A_332 = vector.shape_cast %add3A_328 : vector<16xi32> to vector<16xi32>
      tpu.vector_store %arg6[%swap3A_329], %swap3A_332 {strides = array<i32>} : memref<128xi32, #tpu.memory_space<vmem>>, vector<16xi32>,
      %swap3A_333 = arith.constant 4 : i32
      %swap3A_334 = arith.index_cast %swap3A_333 : i32 to index
      %swap3A_335 = arith.constant 0 : index
      %swap3A_336 = tpu.vector_load %arg9[%swap3A_334, %swap3A_335] {strides = array<i32>} : memref<8x16xf32, #tpu.memory_space<vmem>>, vector<1x16xf32>,
      %swap3A_337 = vector.shape_cast %swap3A_336 : vector<1x16xf32> to vector<16xf32>
      %swap3A_338 = vector.shape_cast %mul3A_233 : vector<16xf32> to vector<1x16xf32>
      tpu.vector_store %arg9[%swap3A_334, %swap3A_335], %swap3A_338 {strides = array<i32>} : memref<8x16xf32, #tpu.memory_space<vmem>>, vector<1x16xf32>,
      %mul3A_339 = arith.constant 48 : i32
      %mul3A_340 = vector.broadcast %mul3A_339 : i32 to vector<16xi32>
      %mul3A_341 = arith.muli %min3A_221, %mul3A_340 : vector<16xi32>
      %add3A_342 = arith.addi %mul3A_341, %min3A_146 : vector<16xi32>
      %mul3A_343 = arith.constant 48 : i32
      %mul3A_344 = vector.broadcast %mul3A_343 : i32 to vector<16xi32>
      %mul3A_345 = arith.muli %add3A_342, %mul3A_344 : vector<16xi32>
      %add3A_346 = vector.broadcast %mul3A_223 : i32 to vector<16xi32>
      %add3A_347 = arith.addi %add3A_346, %mul3A_345 : vector<16xi32>
      %add3A_348 = arith.addi %add3A_347, %min3A_83 : vector<16xi32>
      %swap3A_349 = arith.constant 80 : index
      %swap3A_350 = tpu.vector_load %arg6[%swap3A_349] {strides = array<i32>} : memref<128xi32, #tpu.memory_space<vmem>>, vector<16xi32>,
      %swap3A_351 = vector.shape_cast %swap3A_350 : vector<16xi32> to vector<16xi32>
      %swap3A_352 = vector.shape_cast %add3A_348 : vector<16xi32> to vector<16xi32>
      tpu.vector_store %arg6[%swap3A_349], %swap3A_352 {strides = array<i32>} : memref<128xi32, #tpu.memory_space<vmem>>, vector<16xi32>,
      %swap3A_353 = arith.constant 5 : i32
      %swap3A_354 = arith.index_cast %swap3A_353 : i32 to index
      %swap3A_355 = arith.constant 0 : index
      %swap3A_356 = tpu.vector_load %arg9[%swap3A_354, %swap3A_355] {strides = array<i32>} : memref<8x16xf32, #tpu.memory_space<vmem>>, vector<1x16xf32>,
      %swap3A_357 = vector.shape_cast %swap3A_356 : vector<1x16xf32> to vector<16xf32>
      %swap3A_358 = vector.shape_cast %mul3A_235 : vector<16xf32> to vector<1x16xf32>
      tpu.vector_store %arg9[%swap3A_354, %swap3A_355], %swap3A_358 {strides = array<i32>} : memref<8x16xf32, #tpu.memory_space<vmem>>, vector<1x16xf32>,
      %mul3A_359 = arith.constant 48 : i32
      %mul3A_360 = vector.broadcast %mul3A_359 : i32 to vector<16xi32>
      %mul3A_361 = arith.muli %min3A_221, %mul3A_360 : vector<16xi32>
      %add3A_362 = arith.addi %mul3A_361, %min3A_152 : vector<16xi32>
      %mul3A_363 = arith.constant 48 : i32
      %mul3A_364 = vector.broadcast %mul3A_363 : i32 to vector<16xi32>
      %mul3A_365 = arith.muli %add3A_362, %mul3A_364 : vector<16xi32>
      %add3A_366 = vector.broadcast %mul3A_223 : i32 to vector<16xi32>
      %add3A_367 = arith.addi %add3A_366, %mul3A_365 : vector<16xi32>
      %add3A_368 = arith.addi %add3A_367, %min3A_77 : vector<16xi32>
      %swap3A_369 = arith.constant 96 : index
      %swap3A_370 = tpu.vector_load %arg6[%swap3A_369] {strides = array<i32>} : memref<128xi32, #tpu.memory_space<vmem>>, vector<16xi32>,
      %swap3A_371 = vector.shape_cast %swap3A_370 : vector<16xi32> to vector<16xi32>
      %swap3A_372 = vector.shape_cast %add3A_368 : vector<16xi32> to vector<16xi32>
      tpu.vector_store %arg6[%swap3A_369], %swap3A_372 {strides = array<i32>} : memref<128xi32, #tpu.memory_space<vmem>>, vector<16xi32>,
      %swap3A_373 = arith.constant 6 : i32
      %swap3A_374 = arith.index_cast %swap3A_373 : i32 to index
      %swap3A_375 = arith.constant 0 : index
      %swap3A_376 = tpu.vector_load %arg9[%swap3A_374, %swap3A_375] {strides = array<i32>} : memref<8x16xf32, #tpu.memory_space<vmem>>, vector<1x16xf32>,
      %swap3A_377 = vector.shape_cast %swap3A_376 : vector<1x16xf32> to vector<16xf32>
      %swap3A_378 = vector.shape_cast %mul3A_237 : vector<16xf32> to vector<1x16xf32>
      tpu.vector_store %arg9[%swap3A_374, %swap3A_375], %swap3A_378 {strides = array<i32>} : memref<8x16xf32, #tpu.memory_space<vmem>>, vector<1x16xf32>,
      %mul3A_379 = arith.constant 48 : i32
      %mul3A_380 = vector.broadcast %mul3A_379 : i32 to vector<16xi32>
      %mul3A_381 = arith.muli %min3A_221, %mul3A_380 : vector<16xi32>
      %add3A_382 = arith.addi %mul3A_381, %min3A_152 : vector<16xi32>
      %mul3A_383 = arith.constant 48 : i32
      %mul3A_384 = vector.broadcast %mul3A_383 : i32 to vector<16xi32>
      %mul3A_385 = arith.muli %add3A_382, %mul3A_384 : vector<16xi32>
      %add3A_386 = vector.broadcast %mul3A_223 : i32 to vector<16xi32>
      %add3A_387 = arith.addi %add3A_386, %mul3A_385 : vector<16xi32>
      %add3A_388 = arith.addi %add3A_387, %min3A_83 : vector<16xi32>
      %swap3A_389 = arith.constant 112 : index
      %swap3A_390 = tpu.vector_load %arg6[%swap3A_389] {strides = array<i32>} : memref<128xi32, #tpu.memory_space<vmem>>, vector<16xi32>,
      %swap3A_391 = vector.shape_cast %swap3A_390 : vector<16xi32> to vector<16xi32>
      %swap3A_392 = vector.shape_cast %add3A_388 : vector<16xi32> to vector<16xi32>
      tpu.vector_store %arg6[%swap3A_389], %swap3A_392 {strides = array<i32>} : memref<128xi32, #tpu.memory_space<vmem>>, vector<16xi32>,
      %swap3A_393 = arith.constant 7 : i32
      %swap3A_394 = arith.index_cast %swap3A_393 : i32 to index
      %swap3A_395 = arith.constant 0 : index
      %swap3A_396 = tpu.vector_load %arg9[%swap3A_394, %swap3A_395] {strides = array<i32>} : memref<8x16xf32, #tpu.memory_space<vmem>>, vector<1x16xf32>,
      %swap3A_397 = vector.shape_cast %swap3A_396 : vector<1x16xf32> to vector<16xf32>
      %swap3A_398 = vector.shape_cast %mul3A_239 : vector<16xf32> to vector<1x16xf32>
      tpu.vector_store %arg9[%swap3A_394, %swap3A_395], %swap3A_398 {strides = array<i32>} : memref<8x16xf32, #tpu.memory_space<vmem>>, vector<1x16xf32>,
      %dma_start3A = arith.constant 0 : i32
      %dma_start3A_399 = arith.constant 0 : i32
      %dma_start3A_400 = tpu.memref_slice %arg2[%dma_start3A, %dma_start3A_399] : memref<221184x128xf32, #tpu.memory_space<hbm>> -> memref<221184x128xf32, #tpu.memory_space<hbm>>
      tpu.enqueue_indirect_dma source(%dma_start3A_400 : memref<221184x128xf32, #tpu.memory_space<hbm>>) target(%arg7 : memref<128x128xf32, #tpu.memory_space<vmem>>) offsets(%arg6 : memref<128xi32, #tpu.memory_space<vmem>>) semaphore(%arg10 : memref<!tpu.dma_semaphore, #tpu.memory_space<semaphore_mem>>)
      %dma_wait3A = arith.constant 0 : i32
      %dma_wait3A_401 = arith.constant 0 : i32
      %dma_wait3A_402 = tpu.memref_slice %arg2[%dma_wait3A, %dma_wait3A_401] : memref<221184x128xf32, #tpu.memory_space<hbm>> -> memref<221184x128xf32, #tpu.memory_space<hbm>>
      tpu.wait_indirect_dma semaphore(%arg10 : memref<!tpu.dma_semaphore, #tpu.memory_space<semaphore_mem>>) src(%dma_wait3A_402 : memref<221184x128xf32, #tpu.memory_space<hbm>>) dst(%arg7 : memref<128x128xf32, #tpu.memory_space<vmem>>)
      %get3A_403 = arith.constant 0 : i32
      %get3A_404 = arith.index_cast %get3A_403 : i32 to index
      %get3A_405 = arith.constant 0 : index
      %get3A_406 = tpu.vector_load %arg9[%get3A_404, %get3A_405] {strides = array<i32>} : memref<8x16xf32, #tpu.memory_space<vmem>>, vector<1x16xf32>,
      %get3A_407 = vector.shape_cast %get3A_406 : vector<1x16xf32> to vector<16xf32>
      %get3A_408 = arith.constant 1 : i32
      %get3A_409 = arith.index_cast %get3A_408 : i32 to index
      %get3A_410 = arith.constant 0 : index
      %get3A_411 = tpu.vector_load %arg9[%get3A_409, %get3A_410] {strides = array<i32>} : memref<8x16xf32, #tpu.memory_space<vmem>>, vector<1x16xf32>,
      %get3A_412 = vector.shape_cast %get3A_411 : vector<1x16xf32> to vector<16xf32>
      %get3A_413 = arith.constant 2 : i32
      %get3A_414 = arith.index_cast %get3A_413 : i32 to index
      %get3A_415 = arith.constant 0 : index
      %get3A_416 = tpu.vector_load %arg9[%get3A_414, %get3A_415] {strides = array<i32>} : memref<8x16xf32, #tpu.memory_space<vmem>>, vector<1x16xf32>,
      %get3A_417 = vector.shape_cast %get3A_416 : vector<1x16xf32> to vector<16xf32>
      %get3A_418 = arith.constant 3 : i32
      %get3A_419 = arith.index_cast %get3A_418 : i32 to index
      %get3A_420 = arith.constant 0 : index
      %get3A_421 = tpu.vector_load %arg9[%get3A_419, %get3A_420] {strides = array<i32>} : memref<8x16xf32, #tpu.memory_space<vmem>>, vector<1x16xf32>,
      %get3A_422 = vector.shape_cast %get3A_421 : vector<1x16xf32> to vector<16xf32>
      %get3A_423 = arith.constant 4 : i32
      %get3A_424 = arith.index_cast %get3A_423 : i32 to index
      %get3A_425 = arith.constant 0 : index
      %get3A_426 = tpu.vector_load %arg9[%get3A_424, %get3A_425] {strides = array<i32>} : memref<8x16xf32, #tpu.memory_space<vmem>>, vector<1x16xf32>,
      %get3A_427 = vector.shape_cast %get3A_426 : vector<1x16xf32> to vector<16xf32>
      %get3A_428 = arith.constant 5 : i32
      %get3A_429 = arith.index_cast %get3A_428 : i32 to index
      %get3A_430 = arith.constant 0 : index
      %get3A_431 = tpu.vector_load %arg9[%get3A_429, %get3A_430] {strides = array<i32>} : memref<8x16xf32, #tpu.memory_space<vmem>>, vector<1x16xf32>,
      %get3A_432 = vector.shape_cast %get3A_431 : vector<1x16xf32> to vector<16xf32>
      %get3A_433 = arith.constant 6 : i32
      %get3A_434 = arith.index_cast %get3A_433 : i32 to index
      %get3A_435 = arith.constant 0 : index
      %get3A_436 = tpu.vector_load %arg9[%get3A_434, %get3A_435] {strides = array<i32>} : memref<8x16xf32, #tpu.memory_space<vmem>>, vector<1x16xf32>,
      %get3A_437 = vector.shape_cast %get3A_436 : vector<1x16xf32> to vector<16xf32>
      %get3A_438 = arith.constant 7 : i32
      %get3A_439 = arith.index_cast %get3A_438 : i32 to index
      %get3A_440 = arith.constant 0 : index
      %get3A_441 = tpu.vector_load %arg9[%get3A_439, %get3A_440] {strides = array<i32>} : memref<8x16xf32, #tpu.memory_space<vmem>>, vector<1x16xf32>,
      %get3A_442 = vector.shape_cast %get3A_441 : vector<1x16xf32> to vector<16xf32>
      %scan3A_443 = arith.constant 0 : i32
      %scan3A_444 = arith.constant 0 : i32
      %scan3A_445 = arith.constant 16 : i32
      %scan3A_446 = arith.addi %scan3A_444, %scan3A_445 : i32
      %scan3A_447 = arith.constant 1 : i32
      %scan3A_448 = scf.for %scan3A_452 = %scan3A_444 to %scan3A_446 step %scan3A_447 iter_args(%scan3A_453 = %scan3A_443) -> (i32)  : i32 {
        %broadcast_in_dim3A_454 = vector.broadcast %scan3A_452 : i32 to vector<16xi32>
        %lt3A = arith.constant 0 : i32
        %lt3A_455 = vector.broadcast %lt3A : i32 to vector<16xi32>
        %lt3A_456 = arith.cmpi slt, %broadcast_in_dim3A_454, %lt3A_455 : vector<16xi32>
        %add3A_457 = arith.constant 16 : i32
        %add3A_458 = vector.broadcast %add3A_457 : i32 to vector<16xi32>
        %add3A_459 = arith.addi %broadcast_in_dim3A_454, %add3A_458 : vector<16xi32>
        %select_n3A_460 = arith.select %lt3A_456, %add3A_459, %broadcast_in_dim3A_454 : vector<16xi1>, vector<16xi32>
        %broadcast_in_dim3A_461 = vector.shape_cast %select_n3A_460 : vector<16xi32> to vector<16x1xi32>
        %gather3A = vector.shape_cast %broadcast_in_dim3A_461 : vector<16x1xi32> to vector<16xi32>
        %gather3A_462 = tpu.dynamic_gather %get3A_407[%gather3A] in [0] : vector<16xf32>, vector<16xi32> -> vector<16xf32>
        %lt3A_463 = arith.constant 0 : i32
        %lt3A_464 = vector.broadcast %lt3A_463 : i32 to vector<16xi32>
        %lt3A_465 = arith.cmpi slt, %broadcast_in_dim3A_454, %lt3A_464 : vector<16xi32>
        %add3A_466 = arith.constant 16 : i32
        %add3A_467 = vector.broadcast %add3A_466 : i32 to vector<16xi32>
        %add3A_468 = arith.addi %broadcast_in_dim3A_454, %add3A_467 : vector<16xi32>
        %select_n3A_469 = arith.select %lt3A_465, %add3A_468, %broadcast_in_dim3A_454 : vector<16xi1>, vector<16xi32>
        %broadcast_in_dim3A_470 = vector.shape_cast %select_n3A_469 : vector<16xi32> to vector<16x1xi32>
        %gather3A_471 = vector.shape_cast %broadcast_in_dim3A_470 : vector<16x1xi32> to vector<16xi32>
        %gather3A_472 = tpu.dynamic_gather %get3A_412[%gather3A_471] in [0] : vector<16xf32>, vector<16xi32> -> vector<16xf32>
        %lt3A_473 = arith.constant 0 : i32
        %lt3A_474 = vector.broadcast %lt3A_473 : i32 to vector<16xi32>
        %lt3A_475 = arith.cmpi slt, %broadcast_in_dim3A_454, %lt3A_474 : vector<16xi32>
        %add3A_476 = arith.constant 16 : i32
        %add3A_477 = vector.broadcast %add3A_476 : i32 to vector<16xi32>
        %add3A_478 = arith.addi %broadcast_in_dim3A_454, %add3A_477 : vector<16xi32>
        %select_n3A_479 = arith.select %lt3A_475, %add3A_478, %broadcast_in_dim3A_454 : vector<16xi1>, vector<16xi32>
        %broadcast_in_dim3A_480 = vector.shape_cast %select_n3A_479 : vector<16xi32> to vector<16x1xi32>
        %gather3A_481 = vector.shape_cast %broadcast_in_dim3A_480 : vector<16x1xi32> to vector<16xi32>
        %gather3A_482 = tpu.dynamic_gather %get3A_417[%gather3A_481] in [0] : vector<16xf32>, vector<16xi32> -> vector<16xf32>
        %lt3A_483 = arith.constant 0 : i32
        %lt3A_484 = vector.broadcast %lt3A_483 : i32 to vector<16xi32>
        %lt3A_485 = arith.cmpi slt, %broadcast_in_dim3A_454, %lt3A_484 : vector<16xi32>
        %add3A_486 = arith.constant 16 : i32
        %add3A_487 = vector.broadcast %add3A_486 : i32 to vector<16xi32>
        %add3A_488 = arith.addi %broadcast_in_dim3A_454, %add3A_487 : vector<16xi32>
        %select_n3A_489 = arith.select %lt3A_485, %add3A_488, %broadcast_in_dim3A_454 : vector<16xi1>, vector<16xi32>
        %broadcast_in_dim3A_490 = vector.shape_cast %select_n3A_489 : vector<16xi32> to vector<16x1xi32>
        %gather3A_491 = vector.shape_cast %broadcast_in_dim3A_490 : vector<16x1xi32> to vector<16xi32>
        %gather3A_492 = tpu.dynamic_gather %get3A_422[%gather3A_491] in [0] : vector<16xf32>, vector<16xi32> -> vector<16xf32>
        %lt3A_493 = arith.constant 0 : i32
        %lt3A_494 = vector.broadcast %lt3A_493 : i32 to vector<16xi32>
        %lt3A_495 = arith.cmpi slt, %broadcast_in_dim3A_454, %lt3A_494 : vector<16xi32>
        %add3A_496 = arith.constant 16 : i32
        %add3A_497 = vector.broadcast %add3A_496 : i32 to vector<16xi32>
        %add3A_498 = arith.addi %broadcast_in_dim3A_454, %add3A_497 : vector<16xi32>
        %select_n3A_499 = arith.select %lt3A_495, %add3A_498, %broadcast_in_dim3A_454 : vector<16xi1>, vector<16xi32>
        %broadcast_in_dim3A_500 = vector.shape_cast %select_n3A_499 : vector<16xi32> to vector<16x1xi32>
        %gather3A_501 = vector.shape_cast %broadcast_in_dim3A_500 : vector<16x1xi32> to vector<16xi32>
        %gather3A_502 = tpu.dynamic_gather %get3A_427[%gather3A_501] in [0] : vector<16xf32>, vector<16xi32> -> vector<16xf32>
        %lt3A_503 = arith.constant 0 : i32
        %lt3A_504 = vector.broadcast %lt3A_503 : i32 to vector<16xi32>
        %lt3A_505 = arith.cmpi slt, %broadcast_in_dim3A_454, %lt3A_504 : vector<16xi32>
        %add3A_506 = arith.constant 16 : i32
        %add3A_507 = vector.broadcast %add3A_506 : i32 to vector<16xi32>
        %add3A_508 = arith.addi %broadcast_in_dim3A_454, %add3A_507 : vector<16xi32>
        %select_n3A_509 = arith.select %lt3A_505, %add3A_508, %broadcast_in_dim3A_454 : vector<16xi1>, vector<16xi32>
        %broadcast_in_dim3A_510 = vector.shape_cast %select_n3A_509 : vector<16xi32> to vector<16x1xi32>
        %gather3A_511 = vector.shape_cast %broadcast_in_dim3A_510 : vector<16x1xi32> to vector<16xi32>
        %gather3A_512 = tpu.dynamic_gather %get3A_432[%gather3A_511] in [0] : vector<16xf32>, vector<16xi32> -> vector<16xf32>
        %lt3A_513 = arith.constant 0 : i32
        %lt3A_514 = vector.broadcast %lt3A_513 : i32 to vector<16xi32>
        %lt3A_515 = arith.cmpi slt, %broadcast_in_dim3A_454, %lt3A_514 : vector<16xi32>
        %add3A_516 = arith.constant 16 : i32
        %add3A_517 = vector.broadcast %add3A_516 : i32 to vector<16xi32>
        %add3A_518 = arith.addi %broadcast_in_dim3A_454, %add3A_517 : vector<16xi32>
        %select_n3A_519 = arith.select %lt3A_515, %add3A_518, %broadcast_in_dim3A_454 : vector<16xi1>, vector<16xi32>
        %broadcast_in_dim3A_520 = vector.shape_cast %select_n3A_519 : vector<16xi32> to vector<16x1xi32>
        %gather3A_521 = vector.shape_cast %broadcast_in_dim3A_520 : vector<16x1xi32> to vector<16xi32>
        %gather3A_522 = tpu.dynamic_gather %get3A_437[%gather3A_521] in [0] : vector<16xf32>, vector<16xi32> -> vector<16xf32>
        %lt3A_523 = arith.constant 0 : i32
        %lt3A_524 = vector.broadcast %lt3A_523 : i32 to vector<16xi32>
        %lt3A_525 = arith.cmpi slt, %broadcast_in_dim3A_454, %lt3A_524 : vector<16xi32>
        %add3A_526 = arith.constant 16 : i32
        %add3A_527 = vector.broadcast %add3A_526 : i32 to vector<16xi32>
        %add3A_528 = arith.addi %broadcast_in_dim3A_454, %add3A_527 : vector<16xi32>
        %select_n3A_529 = arith.select %lt3A_525, %add3A_528, %broadcast_in_dim3A_454 : vector<16xi1>, vector<16xi32>
        %broadcast_in_dim3A_530 = vector.shape_cast %select_n3A_529 : vector<16xi32> to vector<16x1xi32>
        %gather3A_531 = vector.shape_cast %broadcast_in_dim3A_530 : vector<16x1xi32> to vector<16xi32>
        %gather3A_532 = tpu.dynamic_gather %get3A_442[%gather3A_531] in [0] : vector<16xf32>, vector<16xi32> -> vector<16xf32>
        %get3A_533 = arith.index_cast %scan3A_452 : i32 to index
        %get3A_534 = arith.constant 0 : index
        %get3A_535 = tpu.vector_load %arg7[%get3A_533, %get3A_534] {strides = array<i32>} : memref<128x128xf32, #tpu.memory_space<vmem>>, vector<1x16xf32>,
        %get3A_536 = vector.shape_cast %get3A_535 : vector<1x16xf32> to vector<16xf32>
        %mul3A_537 = arith.mulf %gather3A_462, %get3A_536 : vector<16xf32>
        %add3A_538 = arith.constant 16 : i32
        %add3A_539 = arith.addi %add3A_538, %scan3A_452 : i32
        %get3A_540 = arith.index_cast %add3A_539 : i32 to index
        %get3A_541 = arith.constant 0 : index
        %get3A_542 = tpu.vector_load %arg7[%get3A_540, %get3A_541] {strides = array<i32>} : memref<128x128xf32, #tpu.memory_space<vmem>>, vector<1x16xf32>,
        %get3A_543 = vector.shape_cast %get3A_542 : vector<1x16xf32> to vector<16xf32>
        %mul3A_544 = arith.mulf %gather3A_472, %get3A_543 : vector<16xf32>
        %add3A_545 = arith.addf %mul3A_537, %mul3A_544 : vector<16xf32>
        %add3A_546 = arith.constant 32 : i32
        %add3A_547 = arith.addi %add3A_546, %scan3A_452 : i32
        %get3A_548 = arith.index_cast %add3A_547 : i32 to index
        %get3A_549 = arith.constant 0 : index
        %get3A_550 = tpu.vector_load %arg7[%get3A_548, %get3A_549] {strides = array<i32>} : memref<128x128xf32, #tpu.memory_space<vmem>>, vector<1x16xf32>,
        %get3A_551 = vector.shape_cast %get3A_550 : vector<1x16xf32> to vector<16xf32>
        %mul3A_552 = arith.mulf %gather3A_482, %get3A_551 : vector<16xf32>
        %add3A_553 = arith.addf %add3A_545, %mul3A_552 : vector<16xf32>
        %add3A_554 = arith.constant 48 : i32
        %add3A_555 = arith.addi %add3A_554, %scan3A_452 : i32
        %get3A_556 = arith.index_cast %add3A_555 : i32 to index
        %get3A_557 = arith.constant 0 : index
        %get3A_558 = tpu.vector_load %arg7[%get3A_556, %get3A_557] {strides = array<i32>} : memref<128x128xf32, #tpu.memory_space<vmem>>, vector<1x16xf32>,
        %get3A_559 = vector.shape_cast %get3A_558 : vector<1x16xf32> to vector<16xf32>
        %mul3A_560 = arith.mulf %gather3A_492, %get3A_559 : vector<16xf32>
        %add3A_561 = arith.addf %add3A_553, %mul3A_560 : vector<16xf32>
        %add3A_562 = arith.constant 64 : i32
        %add3A_563 = arith.addi %add3A_562, %scan3A_452 : i32
        %get3A_564 = arith.index_cast %add3A_563 : i32 to index
        %get3A_565 = arith.constant 0 : index
        %get3A_566 = tpu.vector_load %arg7[%get3A_564, %get3A_565] {strides = array<i32>} : memref<128x128xf32, #tpu.memory_space<vmem>>, vector<1x16xf32>,
        %get3A_567 = vector.shape_cast %get3A_566 : vector<1x16xf32> to vector<16xf32>
        %mul3A_568 = arith.mulf %gather3A_502, %get3A_567 : vector<16xf32>
        %add3A_569 = arith.addf %add3A_561, %mul3A_568 : vector<16xf32>
        %add3A_570 = arith.constant 80 : i32
        %add3A_571 = arith.addi %add3A_570, %scan3A_452 : i32
        %get3A_572 = arith.index_cast %add3A_571 : i32 to index
        %get3A_573 = arith.constant 0 : index
        %get3A_574 = tpu.vector_load %arg7[%get3A_572, %get3A_573] {strides = array<i32>} : memref<128x128xf32, #tpu.memory_space<vmem>>, vector<1x16xf32>,
        %get3A_575 = vector.shape_cast %get3A_574 : vector<1x16xf32> to vector<16xf32>
        %mul3A_576 = arith.mulf %gather3A_512, %get3A_575 : vector<16xf32>
        %add3A_577 = arith.addf %add3A_569, %mul3A_576 : vector<16xf32>
        %add3A_578 = arith.constant 96 : i32
        %add3A_579 = arith.addi %add3A_578, %scan3A_452 : i32
        %get3A_580 = arith.index_cast %add3A_579 : i32 to index
        %get3A_581 = arith.constant 0 : index
        %get3A_582 = tpu.vector_load %arg7[%get3A_580, %get3A_581] {strides = array<i32>} : memref<128x128xf32, #tpu.memory_space<vmem>>, vector<1x16xf32>,
        %get3A_583 = vector.shape_cast %get3A_582 : vector<1x16xf32> to vector<16xf32>
        %mul3A_584 = arith.mulf %gather3A_522, %get3A_583 : vector<16xf32>
        %add3A_585 = arith.addf %add3A_577, %mul3A_584 : vector<16xf32>
        %add3A_586 = arith.constant 112 : i32
        %add3A_587 = arith.addi %add3A_586, %scan3A_452 : i32
        %get3A_588 = arith.index_cast %add3A_587 : i32 to index
        %get3A_589 = arith.constant 0 : index
        %get3A_590 = tpu.vector_load %arg7[%get3A_588, %get3A_589] {strides = array<i32>} : memref<128x128xf32, #tpu.memory_space<vmem>>, vector<1x16xf32>,
        %get3A_591 = vector.shape_cast %get3A_590 : vector<1x16xf32> to vector<16xf32>
        %mul3A_592 = arith.mulf %gather3A_532, %get3A_591 : vector<16xf32>
        %add3A_593 = arith.addf %add3A_585, %mul3A_592 : vector<16xf32>
        %swap3A_594 = arith.index_cast %scan3A_452 : i32 to index
        %swap3A_595 = arith.constant 0 : index
        %swap3A_596 = tpu.vector_load %arg8[%swap3A_594, %swap3A_595] {strides = array<i32>} : memref<16x128xf32, #tpu.memory_space<vmem>>, vector<1x16xf32>,
        %swap3A_597 = vector.shape_cast %swap3A_596 : vector<1x16xf32> to vector<16xf32>
        %swap3A_598 = vector.shape_cast %add3A_593 : vector<16xf32> to vector<1x16xf32>
        tpu.vector_store %arg8[%swap3A_594, %swap3A_595], %swap3A_598 {strides = array<i32>} : memref<16x128xf32, #tpu.memory_space<vmem>>, vector<1x16xf32>,
        %get3A_599 = arith.index_cast %scan3A_452 : i32 to index
        %get3A_600 = arith.constant 16 : index
        %get3A_601 = tpu.vector_load %arg7[%get3A_599, %get3A_600] {strides = array<i32>} : memref<128x128xf32, #tpu.memory_space<vmem>>, vector<1x16xf32>,
        %get3A_602 = vector.shape_cast %get3A_601 : vector<1x16xf32> to vector<16xf32>
        %mul3A_603 = arith.mulf %gather3A_462, %get3A_602 : vector<16xf32>
        %add3A_604 = arith.constant 16 : i32
        %add3A_605 = arith.addi %add3A_604, %scan3A_452 : i32
        %get3A_606 = arith.index_cast %add3A_605 : i32 to index
        %get3A_607 = arith.constant 16 : index
        %get3A_608 = tpu.vector_load %arg7[%get3A_606, %get3A_607] {strides = array<i32>} : memref<128x128xf32, #tpu.memory_space<vmem>>, vector<1x16xf32>,
        %get3A_609 = vector.shape_cast %get3A_608 : vector<1x16xf32> to vector<16xf32>
        %mul3A_610 = arith.mulf %gather3A_472, %get3A_609 : vector<16xf32>
        %add3A_611 = arith.addf %mul3A_603, %mul3A_610 : vector<16xf32>
        %add3A_612 = arith.constant 32 : i32
        %add3A_613 = arith.addi %add3A_612, %scan3A_452 : i32
        %get3A_614 = arith.index_cast %add3A_613 : i32 to index
        %get3A_615 = arith.constant 16 : index
        %get3A_616 = tpu.vector_load %arg7[%get3A_614, %get3A_615] {strides = array<i32>} : memref<128x128xf32, #tpu.memory_space<vmem>>, vector<1x16xf32>,
        %get3A_617 = vector.shape_cast %get3A_616 : vector<1x16xf32> to vector<16xf32>
        %mul3A_618 = arith.mulf %gather3A_482, %get3A_617 : vector<16xf32>
        %add3A_619 = arith.addf %add3A_611, %mul3A_618 : vector<16xf32>
        %add3A_620 = arith.constant 48 : i32
        %add3A_621 = arith.addi %add3A_620, %scan3A_452 : i32
        %get3A_622 = arith.index_cast %add3A_621 : i32 to index
        %get3A_623 = arith.constant 16 : index
        %get3A_624 = tpu.vector_load %arg7[%get3A_622, %get3A_623] {strides = array<i32>} : memref<128x128xf32, #tpu.memory_space<vmem>>, vector<1x16xf32>,
        %get3A_625 = vector.shape_cast %get3A_624 : vector<1x16xf32> to vector<16xf32>
        %mul3A_626 = arith.mulf %gather3A_492, %get3A_625 : vector<16xf32>
        %add3A_627 = arith.addf %add3A_619, %mul3A_626 : vector<16xf32>
        %add3A_628 = arith.constant 64 : i32
        %add3A_629 = arith.addi %add3A_628, %scan3A_452 : i32
        %get3A_630 = arith.index_cast %add3A_629 : i32 to index
        %get3A_631 = arith.constant 16 : index
        %get3A_632 = tpu.vector_load %arg7[%get3A_630, %get3A_631] {strides = array<i32>} : memref<128x128xf32, #tpu.memory_space<vmem>>, vector<1x16xf32>,
        %get3A_633 = vector.shape_cast %get3A_632 : vector<1x16xf32> to vector<16xf32>
        %mul3A_634 = arith.mulf %gather3A_502, %get3A_633 : vector<16xf32>
        %add3A_635 = arith.addf %add3A_627, %mul3A_634 : vector<16xf32>
        %add3A_636 = arith.constant 80 : i32
        %add3A_637 = arith.addi %add3A_636, %scan3A_452 : i32
        %get3A_638 = arith.index_cast %add3A_637 : i32 to index
        %get3A_639 = arith.constant 16 : index
        %get3A_640 = tpu.vector_load %arg7[%get3A_638, %get3A_639] {strides = array<i32>} : memref<128x128xf32, #tpu.memory_space<vmem>>, vector<1x16xf32>,
        %get3A_641 = vector.shape_cast %get3A_640 : vector<1x16xf32> to vector<16xf32>
        %mul3A_642 = arith.mulf %gather3A_512, %get3A_641 : vector<16xf32>
        %add3A_643 = arith.addf %add3A_635, %mul3A_642 : vector<16xf32>
        %add3A_644 = arith.constant 96 : i32
        %add3A_645 = arith.addi %add3A_644, %scan3A_452 : i32
        %get3A_646 = arith.index_cast %add3A_645 : i32 to index
        %get3A_647 = arith.constant 16 : index
        %get3A_648 = tpu.vector_load %arg7[%get3A_646, %get3A_647] {strides = array<i32>} : memref<128x128xf32, #tpu.memory_space<vmem>>, vector<1x16xf32>,
        %get3A_649 = vector.shape_cast %get3A_648 : vector<1x16xf32> to vector<16xf32>
        %mul3A_650 = arith.mulf %gather3A_522, %get3A_649 : vector<16xf32>
        %add3A_651 = arith.addf %add3A_643, %mul3A_650 : vector<16xf32>
        %add3A_652 = arith.constant 112 : i32
        %add3A_653 = arith.addi %add3A_652, %scan3A_452 : i32
        %get3A_654 = arith.index_cast %add3A_653 : i32 to index
        %get3A_655 = arith.constant 16 : index
        %get3A_656 = tpu.vector_load %arg7[%get3A_654, %get3A_655] {strides = array<i32>} : memref<128x128xf32, #tpu.memory_space<vmem>>, vector<1x16xf32>,
        %get3A_657 = vector.shape_cast %get3A_656 : vector<1x16xf32> to vector<16xf32>
        %mul3A_658 = arith.mulf %gather3A_532, %get3A_657 : vector<16xf32>
        %add3A_659 = arith.addf %add3A_651, %mul3A_658 : vector<16xf32>
        %swap3A_660 = arith.index_cast %scan3A_452 : i32 to index
        %swap3A_661 = arith.constant 16 : index
        %swap3A_662 = tpu.vector_load %arg8[%swap3A_660, %swap3A_661] {strides = array<i32>} : memref<16x128xf32, #tpu.memory_space<vmem>>, vector<1x16xf32>,
        %swap3A_663 = vector.shape_cast %swap3A_662 : vector<1x16xf32> to vector<16xf32>
        %swap3A_664 = vector.shape_cast %add3A_659 : vector<16xf32> to vector<1x16xf32>
        tpu.vector_store %arg8[%swap3A_660, %swap3A_661], %swap3A_664 {strides = array<i32>} : memref<16x128xf32, #tpu.memory_space<vmem>>, vector<1x16xf32>,
        %get3A_665 = arith.index_cast %scan3A_452 : i32 to index
        %get3A_666 = arith.constant 32 : index
        %get3A_667 = tpu.vector_load %arg7[%get3A_665, %get3A_666] {strides = array<i32>} : memref<128x128xf32, #tpu.memory_space<vmem>>, vector<1x16xf32>,
        %get3A_668 = vector.shape_cast %get3A_667 : vector<1x16xf32> to vector<16xf32>
        %mul3A_669 = arith.mulf %gather3A_462, %get3A_668 : vector<16xf32>
        %add3A_670 = arith.constant 16 : i32
        %add3A_671 = arith.addi %add3A_670, %scan3A_452 : i32
        %get3A_672 = arith.index_cast %add3A_671 : i32 to index
        %get3A_673 = arith.constant 32 : index
        %get3A_674 = tpu.vector_load %arg7[%get3A_672, %get3A_673] {strides = array<i32>} : memref<128x128xf32, #tpu.memory_space<vmem>>, vector<1x16xf32>,
        %get3A_675 = vector.shape_cast %get3A_674 : vector<1x16xf32> to vector<16xf32>
        %mul3A_676 = arith.mulf %gather3A_472, %get3A_675 : vector<16xf32>
        %add3A_677 = arith.addf %mul3A_669, %mul3A_676 : vector<16xf32>
        %add3A_678 = arith.constant 32 : i32
        %add3A_679 = arith.addi %add3A_678, %scan3A_452 : i32
        %get3A_680 = arith.index_cast %add3A_679 : i32 to index
        %get3A_681 = arith.constant 32 : index
        %get3A_682 = tpu.vector_load %arg7[%get3A_680, %get3A_681] {strides = array<i32>} : memref<128x128xf32, #tpu.memory_space<vmem>>, vector<1x16xf32>,
        %get3A_683 = vector.shape_cast %get3A_682 : vector<1x16xf32> to vector<16xf32>
        %mul3A_684 = arith.mulf %gather3A_482, %get3A_683 : vector<16xf32>
        %add3A_685 = arith.addf %add3A_677, %mul3A_684 : vector<16xf32>
        %add3A_686 = arith.constant 48 : i32
        %add3A_687 = arith.addi %add3A_686, %scan3A_452 : i32
        %get3A_688 = arith.index_cast %add3A_687 : i32 to index
        %get3A_689 = arith.constant 32 : index
        %get3A_690 = tpu.vector_load %arg7[%get3A_688, %get3A_689] {strides = array<i32>} : memref<128x128xf32, #tpu.memory_space<vmem>>, vector<1x16xf32>,
        %get3A_691 = vector.shape_cast %get3A_690 : vector<1x16xf32> to vector<16xf32>
        %mul3A_692 = arith.mulf %gather3A_492, %get3A_691 : vector<16xf32>
        %add3A_693 = arith.addf %add3A_685, %mul3A_692 : vector<16xf32>
        %add3A_694 = arith.constant 64 : i32
        %add3A_695 = arith.addi %add3A_694, %scan3A_452 : i32
        %get3A_696 = arith.index_cast %add3A_695 : i32 to index
        %get3A_697 = arith.constant 32 : index
        %get3A_698 = tpu.vector_load %arg7[%get3A_696, %get3A_697] {strides = array<i32>} : memref<128x128xf32, #tpu.memory_space<vmem>>, vector<1x16xf32>,
        %get3A_699 = vector.shape_cast %get3A_698 : vector<1x16xf32> to vector<16xf32>
        %mul3A_700 = arith.mulf %gather3A_502, %get3A_699 : vector<16xf32>
        %add3A_701 = arith.addf %add3A_693, %mul3A_700 : vector<16xf32>
        %add3A_702 = arith.constant 80 : i32
        %add3A_703 = arith.addi %add3A_702, %scan3A_452 : i32
        %get3A_704 = arith.index_cast %add3A_703 : i32 to index
        %get3A_705 = arith.constant 32 : index
        %get3A_706 = tpu.vector_load %arg7[%get3A_704, %get3A_705] {strides = array<i32>} : memref<128x128xf32, #tpu.memory_space<vmem>>, vector<1x16xf32>,
        %get3A_707 = vector.shape_cast %get3A_706 : vector<1x16xf32> to vector<16xf32>
        %mul3A_708 = arith.mulf %gather3A_512, %get3A_707 : vector<16xf32>
        %add3A_709 = arith.addf %add3A_701, %mul3A_708 : vector<16xf32>
        %add3A_710 = arith.constant 96 : i32
        %add3A_711 = arith.addi %add3A_710, %scan3A_452 : i32
        %get3A_712 = arith.index_cast %add3A_711 : i32 to index
        %get3A_713 = arith.constant 32 : index
        %get3A_714 = tpu.vector_load %arg7[%get3A_712, %get3A_713] {strides = array<i32>} : memref<128x128xf32, #tpu.memory_space<vmem>>, vector<1x16xf32>,
        %get3A_715 = vector.shape_cast %get3A_714 : vector<1x16xf32> to vector<16xf32>
        %mul3A_716 = arith.mulf %gather3A_522, %get3A_715 : vector<16xf32>
        %add3A_717 = arith.addf %add3A_709, %mul3A_716 : vector<16xf32>
        %add3A_718 = arith.constant 112 : i32
        %add3A_719 = arith.addi %add3A_718, %scan3A_452 : i32
        %get3A_720 = arith.index_cast %add3A_719 : i32 to index
        %get3A_721 = arith.constant 32 : index
        %get3A_722 = tpu.vector_load %arg7[%get3A_720, %get3A_721] {strides = array<i32>} : memref<128x128xf32, #tpu.memory_space<vmem>>, vector<1x16xf32>,
        %get3A_723 = vector.shape_cast %get3A_722 : vector<1x16xf32> to vector<16xf32>
        %mul3A_724 = arith.mulf %gather3A_532, %get3A_723 : vector<16xf32>
        %add3A_725 = arith.addf %add3A_717, %mul3A_724 : vector<16xf32>
        %swap3A_726 = arith.index_cast %scan3A_452 : i32 to index
        %swap3A_727 = arith.constant 32 : index
        %swap3A_728 = tpu.vector_load %arg8[%swap3A_726, %swap3A_727] {strides = array<i32>} : memref<16x128xf32, #tpu.memory_space<vmem>>, vector<1x16xf32>,
        %swap3A_729 = vector.shape_cast %swap3A_728 : vector<1x16xf32> to vector<16xf32>
        %swap3A_730 = vector.shape_cast %add3A_725 : vector<16xf32> to vector<1x16xf32>
        tpu.vector_store %arg8[%swap3A_726, %swap3A_727], %swap3A_730 {strides = array<i32>} : memref<16x128xf32, #tpu.memory_space<vmem>>, vector<1x16xf32>,
        %get3A_731 = arith.index_cast %scan3A_452 : i32 to index
        %get3A_732 = arith.constant 48 : index
        %get3A_733 = tpu.vector_load %arg7[%get3A_731, %get3A_732] {strides = array<i32>} : memref<128x128xf32, #tpu.memory_space<vmem>>, vector<1x16xf32>,
        %get3A_734 = vector.shape_cast %get3A_733 : vector<1x16xf32> to vector<16xf32>
        %mul3A_735 = arith.mulf %gather3A_462, %get3A_734 : vector<16xf32>
        %add3A_736 = arith.constant 16 : i32
        %add3A_737 = arith.addi %add3A_736, %scan3A_452 : i32
        %get3A_738 = arith.index_cast %add3A_737 : i32 to index
        %get3A_739 = arith.constant 48 : index
        %get3A_740 = tpu.vector_load %arg7[%get3A_738, %get3A_739] {strides = array<i32>} : memref<128x128xf32, #tpu.memory_space<vmem>>, vector<1x16xf32>,
        %get3A_741 = vector.shape_cast %get3A_740 : vector<1x16xf32> to vector<16xf32>
        %mul3A_742 = arith.mulf %gather3A_472, %get3A_741 : vector<16xf32>
        %add3A_743 = arith.addf %mul3A_735, %mul3A_742 : vector<16xf32>
        %add3A_744 = arith.constant 32 : i32
        %add3A_745 = arith.addi %add3A_744, %scan3A_452 : i32
        %get3A_746 = arith.index_cast %add3A_745 : i32 to index
        %get3A_747 = arith.constant 48 : index
        %get3A_748 = tpu.vector_load %arg7[%get3A_746, %get3A_747] {strides = array<i32>} : memref<128x128xf32, #tpu.memory_space<vmem>>, vector<1x16xf32>,
        %get3A_749 = vector.shape_cast %get3A_748 : vector<1x16xf32> to vector<16xf32>
        %mul3A_750 = arith.mulf %gather3A_482, %get3A_749 : vector<16xf32>
        %add3A_751 = arith.addf %add3A_743, %mul3A_750 : vector<16xf32>
        %add3A_752 = arith.constant 48 : i32
        %add3A_753 = arith.addi %add3A_752, %scan3A_452 : i32
        %get3A_754 = arith.index_cast %add3A_753 : i32 to index
        %get3A_755 = arith.constant 48 : index
        %get3A_756 = tpu.vector_load %arg7[%get3A_754, %get3A_755] {strides = array<i32>} : memref<128x128xf32, #tpu.memory_space<vmem>>, vector<1x16xf32>,
        %get3A_757 = vector.shape_cast %get3A_756 : vector<1x16xf32> to vector<16xf32>
        %mul3A_758 = arith.mulf %gather3A_492, %get3A_757 : vector<16xf32>
        %add3A_759 = arith.addf %add3A_751, %mul3A_758 : vector<16xf32>
        %add3A_760 = arith.constant 64 : i32
        %add3A_761 = arith.addi %add3A_760, %scan3A_452 : i32
        %get3A_762 = arith.index_cast %add3A_761 : i32 to index
        %get3A_763 = arith.constant 48 : index
        %get3A_764 = tpu.vector_load %arg7[%get3A_762, %get3A_763] {strides = array<i32>} : memref<128x128xf32, #tpu.memory_space<vmem>>, vector<1x16xf32>,
        %get3A_765 = vector.shape_cast %get3A_764 : vector<1x16xf32> to vector<16xf32>
        %mul3A_766 = arith.mulf %gather3A_502, %get3A_765 : vector<16xf32>
        %add3A_767 = arith.addf %add3A_759, %mul3A_766 : vector<16xf32>
        %add3A_768 = arith.constant 80 : i32
        %add3A_769 = arith.addi %add3A_768, %scan3A_452 : i32
        %get3A_770 = arith.index_cast %add3A_769 : i32 to index
        %get3A_771 = arith.constant 48 : index
        %get3A_772 = tpu.vector_load %arg7[%get3A_770, %get3A_771] {strides = array<i32>} : memref<128x128xf32, #tpu.memory_space<vmem>>, vector<1x16xf32>,
        %get3A_773 = vector.shape_cast %get3A_772 : vector<1x16xf32> to vector<16xf32>
        %mul3A_774 = arith.mulf %gather3A_512, %get3A_773 : vector<16xf32>
        %add3A_775 = arith.addf %add3A_767, %mul3A_774 : vector<16xf32>
        %add3A_776 = arith.constant 96 : i32
        %add3A_777 = arith.addi %add3A_776, %scan3A_452 : i32
        %get3A_778 = arith.index_cast %add3A_777 : i32 to index
        %get3A_779 = arith.constant 48 : index
        %get3A_780 = tpu.vector_load %arg7[%get3A_778, %get3A_779] {strides = array<i32>} : memref<128x128xf32, #tpu.memory_space<vmem>>, vector<1x16xf32>,
        %get3A_781 = vector.shape_cast %get3A_780 : vector<1x16xf32> to vector<16xf32>
        %mul3A_782 = arith.mulf %gather3A_522, %get3A_781 : vector<16xf32>
        %add3A_783 = arith.addf %add3A_775, %mul3A_782 : vector<16xf32>
        %add3A_784 = arith.constant 112 : i32
        %add3A_785 = arith.addi %add3A_784, %scan3A_452 : i32
        %get3A_786 = arith.index_cast %add3A_785 : i32 to index
        %get3A_787 = arith.constant 48 : index
        %get3A_788 = tpu.vector_load %arg7[%get3A_786, %get3A_787] {strides = array<i32>} : memref<128x128xf32, #tpu.memory_space<vmem>>, vector<1x16xf32>,
        %get3A_789 = vector.shape_cast %get3A_788 : vector<1x16xf32> to vector<16xf32>
        %mul3A_790 = arith.mulf %gather3A_532, %get3A_789 : vector<16xf32>
        %add3A_791 = arith.addf %add3A_783, %mul3A_790 : vector<16xf32>
        %swap3A_792 = arith.index_cast %scan3A_452 : i32 to index
        %swap3A_793 = arith.constant 48 : index
        %swap3A_794 = tpu.vector_load %arg8[%swap3A_792, %swap3A_793] {strides = array<i32>} : memref<16x128xf32, #tpu.memory_space<vmem>>, vector<1x16xf32>,
        %swap3A_795 = vector.shape_cast %swap3A_794 : vector<1x16xf32> to vector<16xf32>
        %swap3A_796 = vector.shape_cast %add3A_791 : vector<16xf32> to vector<1x16xf32>
        tpu.vector_store %arg8[%swap3A_792, %swap3A_793], %swap3A_796 {strides = array<i32>} : memref<16x128xf32, #tpu.memory_space<vmem>>, vector<1x16xf32>,
        %get3A_797 = arith.index_cast %scan3A_452 : i32 to index
        %get3A_798 = arith.constant 64 : index
        %get3A_799 = tpu.vector_load %arg7[%get3A_797, %get3A_798] {strides = array<i32>} : memref<128x128xf32, #tpu.memory_space<vmem>>, vector<1x16xf32>,
        %get3A_800 = vector.shape_cast %get3A_799 : vector<1x16xf32> to vector<16xf32>
        %mul3A_801 = arith.mulf %gather3A_462, %get3A_800 : vector<16xf32>
        %add3A_802 = arith.constant 16 : i32
        %add3A_803 = arith.addi %add3A_802, %scan3A_452 : i32
        %get3A_804 = arith.index_cast %add3A_803 : i32 to index
        %get3A_805 = arith.constant 64 : index
        %get3A_806 = tpu.vector_load %arg7[%get3A_804, %get3A_805] {strides = array<i32>} : memref<128x128xf32, #tpu.memory_space<vmem>>, vector<1x16xf32>,
        %get3A_807 = vector.shape_cast %get3A_806 : vector<1x16xf32> to vector<16xf32>
        %mul3A_808 = arith.mulf %gather3A_472, %get3A_807 : vector<16xf32>
        %add3A_809 = arith.addf %mul3A_801, %mul3A_808 : vector<16xf32>
        %add3A_810 = arith.constant 32 : i32
        %add3A_811 = arith.addi %add3A_810, %scan3A_452 : i32
        %get3A_812 = arith.index_cast %add3A_811 : i32 to index
        %get3A_813 = arith.constant 64 : index
        %get3A_814 = tpu.vector_load %arg7[%get3A_812, %get3A_813] {strides = array<i32>} : memref<128x128xf32, #tpu.memory_space<vmem>>, vector<1x16xf32>,
        %get3A_815 = vector.shape_cast %get3A_814 : vector<1x16xf32> to vector<16xf32>
        %mul3A_816 = arith.mulf %gather3A_482, %get3A_815 : vector<16xf32>
        %add3A_817 = arith.addf %add3A_809, %mul3A_816 : vector<16xf32>
        %add3A_818 = arith.constant 48 : i32
        %add3A_819 = arith.addi %add3A_818, %scan3A_452 : i32
        %get3A_820 = arith.index_cast %add3A_819 : i32 to index
        %get3A_821 = arith.constant 64 : index
        %get3A_822 = tpu.vector_load %arg7[%get3A_820, %get3A_821] {strides = array<i32>} : memref<128x128xf32, #tpu.memory_space<vmem>>, vector<1x16xf32>,
        %get3A_823 = vector.shape_cast %get3A_822 : vector<1x16xf32> to vector<16xf32>
        %mul3A_824 = arith.mulf %gather3A_492, %get3A_823 : vector<16xf32>
        %add3A_825 = arith.addf %add3A_817, %mul3A_824 : vector<16xf32>
        %add3A_826 = arith.constant 64 : i32
        %add3A_827 = arith.addi %add3A_826, %scan3A_452 : i32
        %get3A_828 = arith.index_cast %add3A_827 : i32 to index
        %get3A_829 = arith.constant 64 : index
        %get3A_830 = tpu.vector_load %arg7[%get3A_828, %get3A_829] {strides = array<i32>} : memref<128x128xf32, #tpu.memory_space<vmem>>, vector<1x16xf32>,
        %get3A_831 = vector.shape_cast %get3A_830 : vector<1x16xf32> to vector<16xf32>
        %mul3A_832 = arith.mulf %gather3A_502, %get3A_831 : vector<16xf32>
        %add3A_833 = arith.addf %add3A_825, %mul3A_832 : vector<16xf32>
        %add3A_834 = arith.constant 80 : i32
        %add3A_835 = arith.addi %add3A_834, %scan3A_452 : i32
        %get3A_836 = arith.index_cast %add3A_835 : i32 to index
        %get3A_837 = arith.constant 64 : index
        %get3A_838 = tpu.vector_load %arg7[%get3A_836, %get3A_837] {strides = array<i32>} : memref<128x128xf32, #tpu.memory_space<vmem>>, vector<1x16xf32>,
        %get3A_839 = vector.shape_cast %get3A_838 : vector<1x16xf32> to vector<16xf32>
        %mul3A_840 = arith.mulf %gather3A_512, %get3A_839 : vector<16xf32>
        %add3A_841 = arith.addf %add3A_833, %mul3A_840 : vector<16xf32>
        %add3A_842 = arith.constant 96 : i32
        %add3A_843 = arith.addi %add3A_842, %scan3A_452 : i32
        %get3A_844 = arith.index_cast %add3A_843 : i32 to index
        %get3A_845 = arith.constant 64 : index
        %get3A_846 = tpu.vector_load %arg7[%get3A_844, %get3A_845] {strides = array<i32>} : memref<128x128xf32, #tpu.memory_space<vmem>>, vector<1x16xf32>,
        %get3A_847 = vector.shape_cast %get3A_846 : vector<1x16xf32> to vector<16xf32>
        %mul3A_848 = arith.mulf %gather3A_522, %get3A_847 : vector<16xf32>
        %add3A_849 = arith.addf %add3A_841, %mul3A_848 : vector<16xf32>
        %add3A_850 = arith.constant 112 : i32
        %add3A_851 = arith.addi %add3A_850, %scan3A_452 : i32
        %get3A_852 = arith.index_cast %add3A_851 : i32 to index
        %get3A_853 = arith.constant 64 : index
        %get3A_854 = tpu.vector_load %arg7[%get3A_852, %get3A_853] {strides = array<i32>} : memref<128x128xf32, #tpu.memory_space<vmem>>, vector<1x16xf32>,
        %get3A_855 = vector.shape_cast %get3A_854 : vector<1x16xf32> to vector<16xf32>
        %mul3A_856 = arith.mulf %gather3A_532, %get3A_855 : vector<16xf32>
        %add3A_857 = arith.addf %add3A_849, %mul3A_856 : vector<16xf32>
        %swap3A_858 = arith.index_cast %scan3A_452 : i32 to index
        %swap3A_859 = arith.constant 64 : index
        %swap3A_860 = tpu.vector_load %arg8[%swap3A_858, %swap3A_859] {strides = array<i32>} : memref<16x128xf32, #tpu.memory_space<vmem>>, vector<1x16xf32>,
        %swap3A_861 = vector.shape_cast %swap3A_860 : vector<1x16xf32> to vector<16xf32>
        %swap3A_862 = vector.shape_cast %add3A_857 : vector<16xf32> to vector<1x16xf32>
        tpu.vector_store %arg8[%swap3A_858, %swap3A_859], %swap3A_862 {strides = array<i32>} : memref<16x128xf32, #tpu.memory_space<vmem>>, vector<1x16xf32>,
        %get3A_863 = arith.index_cast %scan3A_452 : i32 to index
        %get3A_864 = arith.constant 80 : index
        %get3A_865 = tpu.vector_load %arg7[%get3A_863, %get3A_864] {strides = array<i32>} : memref<128x128xf32, #tpu.memory_space<vmem>>, vector<1x16xf32>,
        %get3A_866 = vector.shape_cast %get3A_865 : vector<1x16xf32> to vector<16xf32>
        %mul3A_867 = arith.mulf %gather3A_462, %get3A_866 : vector<16xf32>
        %add3A_868 = arith.constant 16 : i32
        %add3A_869 = arith.addi %add3A_868, %scan3A_452 : i32
        %get3A_870 = arith.index_cast %add3A_869 : i32 to index
        %get3A_871 = arith.constant 80 : index
        %get3A_872 = tpu.vector_load %arg7[%get3A_870, %get3A_871] {strides = array<i32>} : memref<128x128xf32, #tpu.memory_space<vmem>>, vector<1x16xf32>,
        %get3A_873 = vector.shape_cast %get3A_872 : vector<1x16xf32> to vector<16xf32>
        %mul3A_874 = arith.mulf %gather3A_472, %get3A_873 : vector<16xf32>
        %add3A_875 = arith.addf %mul3A_867, %mul3A_874 : vector<16xf32>
        %add3A_876 = arith.constant 32 : i32
        %add3A_877 = arith.addi %add3A_876, %scan3A_452 : i32
        %get3A_878 = arith.index_cast %add3A_877 : i32 to index
        %get3A_879 = arith.constant 80 : index
        %get3A_880 = tpu.vector_load %arg7[%get3A_878, %get3A_879] {strides = array<i32>} : memref<128x128xf32, #tpu.memory_space<vmem>>, vector<1x16xf32>,
        %get3A_881 = vector.shape_cast %get3A_880 : vector<1x16xf32> to vector<16xf32>
        %mul3A_882 = arith.mulf %gather3A_482, %get3A_881 : vector<16xf32>
        %add3A_883 = arith.addf %add3A_875, %mul3A_882 : vector<16xf32>
        %add3A_884 = arith.constant 48 : i32
        %add3A_885 = arith.addi %add3A_884, %scan3A_452 : i32
        %get3A_886 = arith.index_cast %add3A_885 : i32 to index
        %get3A_887 = arith.constant 80 : index
        %get3A_888 = tpu.vector_load %arg7[%get3A_886, %get3A_887] {strides = array<i32>} : memref<128x128xf32, #tpu.memory_space<vmem>>, vector<1x16xf32>,
        %get3A_889 = vector.shape_cast %get3A_888 : vector<1x16xf32> to vector<16xf32>
        %mul3A_890 = arith.mulf %gather3A_492, %get3A_889 : vector<16xf32>
        %add3A_891 = arith.addf %add3A_883, %mul3A_890 : vector<16xf32>
        %add3A_892 = arith.constant 64 : i32
        %add3A_893 = arith.addi %add3A_892, %scan3A_452 : i32
        %get3A_894 = arith.index_cast %add3A_893 : i32 to index
        %get3A_895 = arith.constant 80 : index
        %get3A_896 = tpu.vector_load %arg7[%get3A_894, %get3A_895] {strides = array<i32>} : memref<128x128xf32, #tpu.memory_space<vmem>>, vector<1x16xf32>,
        %get3A_897 = vector.shape_cast %get3A_896 : vector<1x16xf32> to vector<16xf32>
        %mul3A_898 = arith.mulf %gather3A_502, %get3A_897 : vector<16xf32>
        %add3A_899 = arith.addf %add3A_891, %mul3A_898 : vector<16xf32>
        %add3A_900 = arith.constant 80 : i32
        %add3A_901 = arith.addi %add3A_900, %scan3A_452 : i32
        %get3A_902 = arith.index_cast %add3A_901 : i32 to index
        %get3A_903 = arith.constant 80 : index
        %get3A_904 = tpu.vector_load %arg7[%get3A_902, %get3A_903] {strides = array<i32>} : memref<128x128xf32, #tpu.memory_space<vmem>>, vector<1x16xf32>,
        %get3A_905 = vector.shape_cast %get3A_904 : vector<1x16xf32> to vector<16xf32>
        %mul3A_906 = arith.mulf %gather3A_512, %get3A_905 : vector<16xf32>
        %add3A_907 = arith.addf %add3A_899, %mul3A_906 : vector<16xf32>
        %add3A_908 = arith.constant 96 : i32
        %add3A_909 = arith.addi %add3A_908, %scan3A_452 : i32
        %get3A_910 = arith.index_cast %add3A_909 : i32 to index
        %get3A_911 = arith.constant 80 : index
        %get3A_912 = tpu.vector_load %arg7[%get3A_910, %get3A_911] {strides = array<i32>} : memref<128x128xf32, #tpu.memory_space<vmem>>, vector<1x16xf32>,
        %get3A_913 = vector.shape_cast %get3A_912 : vector<1x16xf32> to vector<16xf32>
        %mul3A_914 = arith.mulf %gather3A_522, %get3A_913 : vector<16xf32>
        %add3A_915 = arith.addf %add3A_907, %mul3A_914 : vector<16xf32>
        %add3A_916 = arith.constant 112 : i32
        %add3A_917 = arith.addi %add3A_916, %scan3A_452 : i32
        %get3A_918 = arith.index_cast %add3A_917 : i32 to index
        %get3A_919 = arith.constant 80 : index
        %get3A_920 = tpu.vector_load %arg7[%get3A_918, %get3A_919] {strides = array<i32>} : memref<128x128xf32, #tpu.memory_space<vmem>>, vector<1x16xf32>,
        %get3A_921 = vector.shape_cast %get3A_920 : vector<1x16xf32> to vector<16xf32>
        %mul3A_922 = arith.mulf %gather3A_532, %get3A_921 : vector<16xf32>
        %add3A_923 = arith.addf %add3A_915, %mul3A_922 : vector<16xf32>
        %swap3A_924 = arith.index_cast %scan3A_452 : i32 to index
        %swap3A_925 = arith.constant 80 : index
        %swap3A_926 = tpu.vector_load %arg8[%swap3A_924, %swap3A_925] {strides = array<i32>} : memref<16x128xf32, #tpu.memory_space<vmem>>, vector<1x16xf32>,
        %swap3A_927 = vector.shape_cast %swap3A_926 : vector<1x16xf32> to vector<16xf32>
        %swap3A_928 = vector.shape_cast %add3A_923 : vector<16xf32> to vector<1x16xf32>
        tpu.vector_store %arg8[%swap3A_924, %swap3A_925], %swap3A_928 {strides = array<i32>} : memref<16x128xf32, #tpu.memory_space<vmem>>, vector<1x16xf32>,
        %get3A_929 = arith.index_cast %scan3A_452 : i32 to index
        %get3A_930 = arith.constant 96 : index
        %get3A_931 = tpu.vector_load %arg7[%get3A_929, %get3A_930] {strides = array<i32>} : memref<128x128xf32, #tpu.memory_space<vmem>>, vector<1x16xf32>,
        %get3A_932 = vector.shape_cast %get3A_931 : vector<1x16xf32> to vector<16xf32>
        %mul3A_933 = arith.mulf %gather3A_462, %get3A_932 : vector<16xf32>
        %add3A_934 = arith.constant 16 : i32
        %add3A_935 = arith.addi %add3A_934, %scan3A_452 : i32
        %get3A_936 = arith.index_cast %add3A_935 : i32 to index
        %get3A_937 = arith.constant 96 : index
        %get3A_938 = tpu.vector_load %arg7[%get3A_936, %get3A_937] {strides = array<i32>} : memref<128x128xf32, #tpu.memory_space<vmem>>, vector<1x16xf32>,
        %get3A_939 = vector.shape_cast %get3A_938 : vector<1x16xf32> to vector<16xf32>
        %mul3A_940 = arith.mulf %gather3A_472, %get3A_939 : vector<16xf32>
        %add3A_941 = arith.addf %mul3A_933, %mul3A_940 : vector<16xf32>
        %add3A_942 = arith.constant 32 : i32
        %add3A_943 = arith.addi %add3A_942, %scan3A_452 : i32
        %get3A_944 = arith.index_cast %add3A_943 : i32 to index
        %get3A_945 = arith.constant 96 : index
        %get3A_946 = tpu.vector_load %arg7[%get3A_944, %get3A_945] {strides = array<i32>} : memref<128x128xf32, #tpu.memory_space<vmem>>, vector<1x16xf32>,
        %get3A_947 = vector.shape_cast %get3A_946 : vector<1x16xf32> to vector<16xf32>
        %mul3A_948 = arith.mulf %gather3A_482, %get3A_947 : vector<16xf32>
        %add3A_949 = arith.addf %add3A_941, %mul3A_948 : vector<16xf32>
        %add3A_950 = arith.constant 48 : i32
        %add3A_951 = arith.addi %add3A_950, %scan3A_452 : i32
        %get3A_952 = arith.index_cast %add3A_951 : i32 to index
        %get3A_953 = arith.constant 96 : index
        %get3A_954 = tpu.vector_load %arg7[%get3A_952, %get3A_953] {strides = array<i32>} : memref<128x128xf32, #tpu.memory_space<vmem>>, vector<1x16xf32>,
        %get3A_955 = vector.shape_cast %get3A_954 : vector<1x16xf32> to vector<16xf32>
        %mul3A_956 = arith.mulf %gather3A_492, %get3A_955 : vector<16xf32>
        %add3A_957 = arith.addf %add3A_949, %mul3A_956 : vector<16xf32>
        %add3A_958 = arith.constant 64 : i32
        %add3A_959 = arith.addi %add3A_958, %scan3A_452 : i32
        %get3A_960 = arith.index_cast %add3A_959 : i32 to index
        %get3A_961 = arith.constant 96 : index
        %get3A_962 = tpu.vector_load %arg7[%get3A_960, %get3A_961] {strides = array<i32>} : memref<128x128xf32, #tpu.memory_space<vmem>>, vector<1x16xf32>,
        %get3A_963 = vector.shape_cast %get3A_962 : vector<1x16xf32> to vector<16xf32>
        %mul3A_964 = arith.mulf %gather3A_502, %get3A_963 : vector<16xf32>
        %add3A_965 = arith.addf %add3A_957, %mul3A_964 : vector<16xf32>
        %add3A_966 = arith.constant 80 : i32
        %add3A_967 = arith.addi %add3A_966, %scan3A_452 : i32
        %get3A_968 = arith.index_cast %add3A_967 : i32 to index
        %get3A_969 = arith.constant 96 : index
        %get3A_970 = tpu.vector_load %arg7[%get3A_968, %get3A_969] {strides = array<i32>} : memref<128x128xf32, #tpu.memory_space<vmem>>, vector<1x16xf32>,
        %get3A_971 = vector.shape_cast %get3A_970 : vector<1x16xf32> to vector<16xf32>
        %mul3A_972 = arith.mulf %gather3A_512, %get3A_971 : vector<16xf32>
        %add3A_973 = arith.addf %add3A_965, %mul3A_972 : vector<16xf32>
        %add3A_974 = arith.constant 96 : i32
        %add3A_975 = arith.addi %add3A_974, %scan3A_452 : i32
        %get3A_976 = arith.index_cast %add3A_975 : i32 to index
        %get3A_977 = arith.constant 96 : index
        %get3A_978 = tpu.vector_load %arg7[%get3A_976, %get3A_977] {strides = array<i32>} : memref<128x128xf32, #tpu.memory_space<vmem>>, vector<1x16xf32>,
        %get3A_979 = vector.shape_cast %get3A_978 : vector<1x16xf32> to vector<16xf32>
        %mul3A_980 = arith.mulf %gather3A_522, %get3A_979 : vector<16xf32>
        %add3A_981 = arith.addf %add3A_973, %mul3A_980 : vector<16xf32>
        %add3A_982 = arith.constant 112 : i32
        %add3A_983 = arith.addi %add3A_982, %scan3A_452 : i32
        %get3A_984 = arith.index_cast %add3A_983 : i32 to index
        %get3A_985 = arith.constant 96 : index
        %get3A_986 = tpu.vector_load %arg7[%get3A_984, %get3A_985] {strides = array<i32>} : memref<128x128xf32, #tpu.memory_space<vmem>>, vector<1x16xf32>,
        %get3A_987 = vector.shape_cast %get3A_986 : vector<1x16xf32> to vector<16xf32>
        %mul3A_988 = arith.mulf %gather3A_532, %get3A_987 : vector<16xf32>
        %add3A_989 = arith.addf %add3A_981, %mul3A_988 : vector<16xf32>
        %swap3A_990 = arith.index_cast %scan3A_452 : i32 to index
        %swap3A_991 = arith.constant 96 : index
        %swap3A_992 = tpu.vector_load %arg8[%swap3A_990, %swap3A_991] {strides = array<i32>} : memref<16x128xf32, #tpu.memory_space<vmem>>, vector<1x16xf32>,
        %swap3A_993 = vector.shape_cast %swap3A_992 : vector<1x16xf32> to vector<16xf32>
        %swap3A_994 = vector.shape_cast %add3A_989 : vector<16xf32> to vector<1x16xf32>
        tpu.vector_store %arg8[%swap3A_990, %swap3A_991], %swap3A_994 {strides = array<i32>} : memref<16x128xf32, #tpu.memory_space<vmem>>, vector<1x16xf32>,
        %get3A_995 = arith.index_cast %scan3A_452 : i32 to index
        %get3A_996 = arith.constant 112 : index
        %get3A_997 = tpu.vector_load %arg7[%get3A_995, %get3A_996] {strides = array<i32>} : memref<128x128xf32, #tpu.memory_space<vmem>>, vector<1x16xf32>,
        %get3A_998 = vector.shape_cast %get3A_997 : vector<1x16xf32> to vector<16xf32>
        %mul3A_999 = arith.mulf %gather3A_462, %get3A_998 : vector<16xf32>
        %add3A_1000 = arith.constant 16 : i32
        %add3A_1001 = arith.addi %add3A_1000, %scan3A_452 : i32
        %get3A_1002 = arith.index_cast %add3A_1001 : i32 to index
        %get3A_1003 = arith.constant 112 : index
        %get3A_1004 = tpu.vector_load %arg7[%get3A_1002, %get3A_1003] {strides = array<i32>} : memref<128x128xf32, #tpu.memory_space<vmem>>, vector<1x16xf32>,
        %get3A_1005 = vector.shape_cast %get3A_1004 : vector<1x16xf32> to vector<16xf32>
        %mul3A_1006 = arith.mulf %gather3A_472, %get3A_1005 : vector<16xf32>
        %add3A_1007 = arith.addf %mul3A_999, %mul3A_1006 : vector<16xf32>
        %add3A_1008 = arith.constant 32 : i32
        %add3A_1009 = arith.addi %add3A_1008, %scan3A_452 : i32
        %get3A_1010 = arith.index_cast %add3A_1009 : i32 to index
        %get3A_1011 = arith.constant 112 : index
        %get3A_1012 = tpu.vector_load %arg7[%get3A_1010, %get3A_1011] {strides = array<i32>} : memref<128x128xf32, #tpu.memory_space<vmem>>, vector<1x16xf32>,
        %get3A_1013 = vector.shape_cast %get3A_1012 : vector<1x16xf32> to vector<16xf32>
        %mul3A_1014 = arith.mulf %gather3A_482, %get3A_1013 : vector<16xf32>
        %add3A_1015 = arith.addf %add3A_1007, %mul3A_1014 : vector<16xf32>
        %add3A_1016 = arith.constant 48 : i32
        %add3A_1017 = arith.addi %add3A_1016, %scan3A_452 : i32
        %get3A_1018 = arith.index_cast %add3A_1017 : i32 to index
        %get3A_1019 = arith.constant 112 : index
        %get3A_1020 = tpu.vector_load %arg7[%get3A_1018, %get3A_1019] {strides = array<i32>} : memref<128x128xf32, #tpu.memory_space<vmem>>, vector<1x16xf32>,
        %get3A_1021 = vector.shape_cast %get3A_1020 : vector<1x16xf32> to vector<16xf32>
        %mul3A_1022 = arith.mulf %gather3A_492, %get3A_1021 : vector<16xf32>
        %add3A_1023 = arith.addf %add3A_1015, %mul3A_1022 : vector<16xf32>
        %add3A_1024 = arith.constant 64 : i32
        %add3A_1025 = arith.addi %add3A_1024, %scan3A_452 : i32
        %get3A_1026 = arith.index_cast %add3A_1025 : i32 to index
        %get3A_1027 = arith.constant 112 : index
        %get3A_1028 = tpu.vector_load %arg7[%get3A_1026, %get3A_1027] {strides = array<i32>} : memref<128x128xf32, #tpu.memory_space<vmem>>, vector<1x16xf32>,
        %get3A_1029 = vector.shape_cast %get3A_1028 : vector<1x16xf32> to vector<16xf32>
        %mul3A_1030 = arith.mulf %gather3A_502, %get3A_1029 : vector<16xf32>
        %add3A_1031 = arith.addf %add3A_1023, %mul3A_1030 : vector<16xf32>
        %add3A_1032 = arith.constant 80 : i32
        %add3A_1033 = arith.addi %add3A_1032, %scan3A_452 : i32
        %get3A_1034 = arith.index_cast %add3A_1033 : i32 to index
        %get3A_1035 = arith.constant 112 : index
        %get3A_1036 = tpu.vector_load %arg7[%get3A_1034, %get3A_1035] {strides = array<i32>} : memref<128x128xf32, #tpu.memory_space<vmem>>, vector<1x16xf32>,
        %get3A_1037 = vector.shape_cast %get3A_1036 : vector<1x16xf32> to vector<16xf32>
        %mul3A_1038 = arith.mulf %gather3A_512, %get3A_1037 : vector<16xf32>
        %add3A_1039 = arith.addf %add3A_1031, %mul3A_1038 : vector<16xf32>
        %add3A_1040 = arith.constant 96 : i32
        %add3A_1041 = arith.addi %add3A_1040, %scan3A_452 : i32
        %get3A_1042 = arith.index_cast %add3A_1041 : i32 to index
        %get3A_1043 = arith.constant 112 : index
        %get3A_1044 = tpu.vector_load %arg7[%get3A_1042, %get3A_1043] {strides = array<i32>} : memref<128x128xf32, #tpu.memory_space<vmem>>, vector<1x16xf32>,
        %get3A_1045 = vector.shape_cast %get3A_1044 : vector<1x16xf32> to vector<16xf32>
        %mul3A_1046 = arith.mulf %gather3A_522, %get3A_1045 : vector<16xf32>
        %add3A_1047 = arith.addf %add3A_1039, %mul3A_1046 : vector<16xf32>
        %add3A_1048 = arith.constant 112 : i32
        %add3A_1049 = arith.addi %add3A_1048, %scan3A_452 : i32
        %get3A_1050 = arith.index_cast %add3A_1049 : i32 to index
        %get3A_1051 = arith.constant 112 : index
        %get3A_1052 = tpu.vector_load %arg7[%get3A_1050, %get3A_1051] {strides = array<i32>} : memref<128x128xf32, #tpu.memory_space<vmem>>, vector<1x16xf32>,
        %get3A_1053 = vector.shape_cast %get3A_1052 : vector<1x16xf32> to vector<16xf32>
        %mul3A_1054 = arith.mulf %gather3A_532, %get3A_1053 : vector<16xf32>
        %add3A_1055 = arith.addf %add3A_1047, %mul3A_1054 : vector<16xf32>
        %swap3A_1056 = arith.index_cast %scan3A_452 : i32 to index
        %swap3A_1057 = arith.constant 112 : index
        %swap3A_1058 = tpu.vector_load %arg8[%swap3A_1056, %swap3A_1057] {strides = array<i32>} : memref<16x128xf32, #tpu.memory_space<vmem>>, vector<1x16xf32>,
        %swap3A_1059 = vector.shape_cast %swap3A_1058 : vector<1x16xf32> to vector<16xf32>
        %swap3A_1060 = vector.shape_cast %add3A_1055 : vector<16xf32> to vector<1x16xf32>
        tpu.vector_store %arg8[%swap3A_1056, %swap3A_1057], %swap3A_1060 {strides = array<i32>} : memref<16x128xf32, #tpu.memory_space<vmem>>, vector<1x16xf32>,
        %scan3A_1061 = arith.constant 0 : i32
        scf.yield %scan3A_1061 : i32
      }
      %scan3A_449 = arith.constant 16 : i32
      %add3A_450 = arith.addi %add3A, %mul3A_12 : i32
      "tpu.region"() ({
        %run_scoped3A = tpu.sem_alloc : memref<!tpu.dma_semaphore, #tpu.memory_space<semaphore_mem>>
        %dma_start3A_452 = arith.constant 0 : i32
        %dma_start3A_453 = tpu.memref_slice %arg4[%add3A_450, %dma_start3A_452] : memref<200704x128xf32, #tpu.memory_space<hbm>> -> memref<16x128xf32, #tpu.memory_space<hbm>>
        %dma_start3A_454 = arith.constant 0 : i32
        %dma_start3A_455 = tpu.memref_slice %arg4[%add3A_450, %dma_start3A_454] : memref<200704x128xf32, #tpu.memory_space<hbm>> -> memref<16x128xf32, #tpu.memory_space<hbm>>
        tpu.enqueue_dma source(%arg8 : memref<16x128xf32, #tpu.memory_space<vmem>>) target(%dma_start3A_455 : memref<16x128xf32, #tpu.memory_space<hbm>>) target_semaphore(%run_scoped3A : memref<!tpu.dma_semaphore, #tpu.memory_space<semaphore_mem>>)
        %dma_wait3A_456 = arith.constant 0 : i32
        %dma_wait3A_457 = tpu.memref_slice %arg4[%add3A_450, %dma_wait3A_456] : memref<200704x128xf32, #tpu.memory_space<hbm>> -> memref<16x128xf32, #tpu.memory_space<hbm>>
        %dma_wait3A_458 = arith.constant 0 : i32
        %dma_wait3A_459 = tpu.memref_slice %arg4[%add3A_450, %dma_wait3A_458] : memref<200704x128xf32, #tpu.memory_space<hbm>> -> memref<16x128xf32, #tpu.memory_space<hbm>>
        tpu.wait_dma2 semaphore(%run_scoped3A : memref<!tpu.dma_semaphore, #tpu.memory_space<semaphore_mem>>) src(%arg8 : memref<16x128xf32, #tpu.memory_space<vmem>>) dst(%dma_wait3A_459 : memref<16x128xf32, #tpu.memory_space<hbm>>)
        tpu.yield
      }) : () -> ()
      %scan3A_451 = arith.constant 0 : i32
      scf.yield %scan3A_451 : i32
    }
    %scan3A_8 = arith.constant 392 : i32
    return
  }
}

</mosaic_0001>

<sc_bundles>
// kernel: kernel.3.cloned.1.call-start
scs
__scs_entry_jumppad:
0x0: {  	(pc) =	sbr.rel $0x88, $3  }
0x1: {  	(tag) =	ssettag $0x0;
	lr =	simm.s32 $0x1  }
0x2: {  	[smem:$0x3F9F] =	sst lr;
	_ =	strace $0xD0000000  }
0x3: {  	_ = 	snop  }
0x4: {  	_ = 	snop  }
0x5: {  	_ = 	snop  }
0x6: {  	_ = 	snop  }
0x7: {  	_ = 	snop  }
__scs_overlays_trampoline_lowered:
0x8: {  	[smem:$0x3FAE] =	sst s0  }
0x9: {  	[smem:$0x3FAF] =	sst s1  }
0xa: {  	[smem:$0x3FB0] =	sst s2  }
0xb: {  	[smem:$0x3FB1] =	sst s3  }
0xc: {  	[smem:$0x3FB2] =	sst s4  }
0xd: {  	[smem:$0x3FB3] =	sst s5  }
0xe: {  	[smem:$0x3FB4] =	sst s6  }
0xf: {  	[smem:$0x3FB5] =	sst s7  }
0x10: {  	[smem:$0x3FB6] =	sst s8  }
0x11: {  	[smem:$0x3FB7] =	sst s9;
	s0 =	simm.s32 @!p0 $0x0  }
0x12: {  	s1 =	sld [smem:$0x3F9D];
	s0 =	simm.s32 @p0 $0x1  }
0x13: {  	[smem:$0x3FB8] =	sst s0;
	s0 =	simm.s32 @!p1 $0x0  }
0x14: {  	s2 =	sld [smem:$0x3F9C];
	s0 =	simm.s32 @p1 $0x1  }
0x15: {  	[smem:$0x3FB9] =	sst s0;
	s0 =	simm.s32 @!p2 $0x0  }
0x16: {  	s3 =	sld [smem:$0x3FDB];
	s0 =	simm.s32 @p2 $0x1  }
0x17: {  	s4 =	simm.s32 $0x1BF5;
	[smem:$0x3FBB] =	sst s0  }
0x18: {  	s0 =	sld [smem:$0x3F9E];
	_ =	swait.ge [sflag:s4], $0x0  }
0x19: {  	s7 =	sld [smem:$0x3F9F]  }
0x1a: {  	s8 =	sadd.s32 $0xFFFFE003, lr  }
0x1b: {  	s9 =	sadd.s32 $0xFFFFFEF7, lr;
	s5 =	simm.s32 $0xFFFFFFFF;
	p2 =	slt.u32 s8, $0xFFFFF086  }
0x1c: {  	p1 =	slt.u32 s9, $0xF7A;
	s5 =	simm.s32 @!p2 $0x0  }
0x1d: {  	s5 =	simm.s32 @p1 $0x1;
	p0 =	seq.s32 s7, s2  }
0x1e: {  	s7 =	smul.u32 @!p0 $0xF7A, s2;
	p2 =	seq.s32 @!p0 s5, $0x0  }
0x1f: {  	s9 =	smul.u32 $0xF7A, s1;
	s8 =	simm.s32 @!p0 $0x1BF5;
	p2 =	por !p2, p0  }
0x20: {  	[sflag:s8] =	ssyncset.s32 @!p0 $0xFFFFF086;
	s6 =	sadd.s32 @!p0 s3, s7;
	s7 =	simm.s32 @!p0 $0x108  }
0x21: {  	s3 =	sadd.s32 s3, s9;
	s6 =	sadd.s32 @!p0 $0x88, s6;
	s7 =	simm.s32 @p2 $0x1082  }
0x22: {  	[simem:s7], [sflag:s8] =	dma.local @!p0 [hbm:s6], $0xF7A  }
0x23: {  	s9 =	sor.u32 $0xD0000000, s2;
	s6 =	simm.s32 $0x108;
	_ =	swait.ge @!p0 [sflag:s8], $0x0  }
0x24: {  	s3 =	sadd.s32 $0x88, s3;
	s6 =	simm.s32 @!p1 $0x1082;
	[sflag:s4] =	ssyncset.s32 $0xFFFFF086  }
0x25: {  	[simem:s6], [sflag:s4] =	dma.local [hbm:s3], $0xF7A  }
0x26: {  	[smem:$0x3F9F] =	sst s1;
	(tag) =	ssettag s2;
	_ =	strace s9  }
0x27: {  	s1 =	sld [smem:$0x3FAF]  }
0x28: {  	s2 =	sld [smem:$0x3FB0]  }
0x29: {  	s4 =	sld [smem:$0x3FB2]  }
0x2a: {  	p0 =	seq.s32 s5, $0x0;
	s5 =	sld [smem:$0x3FB3]  }
0x2b: {  	s6 =	sld [smem:$0x3FB4]  }
0x2c: {  	s7 =	sld [smem:$0x3FB5]  }
0x2d: {  	s3 =	simm.s32 $0x108;
	s8 =	sld [smem:$0x3FB6]  }
0x2e: {  	s3 =	simm.s32 @!p0 $0x1082;
	s9 =	sld [smem:$0x3FB7]  }
0x2f: {  	lr =	sadd.s32 s0, s3;
	s0 =	sld [smem:$0x3FAE]  }
0x30: {  	s3 =	sld [smem:$0x3FB1]  }
0x31: {  	[smem:$0x3FBA] =	sst s10  }
0x32: {  	s10 =	sld [smem:$0x3FB8];
	_ =	sdelay $0x3  }
0x33: {  	p0 =	seq.s32 s10, $0x1;
	s10 =	sld [smem:$0x3FBA];
	_ =	sdelay $0x3  }
0x34: {  	[smem:$0x3FBA] =	sst s10  }
0x35: {  	s10 =	sld [smem:$0x3FB9];
	_ =	sdelay $0x3  }
0x36: {  	p1 =	seq.s32 s10, $0x1;
	s10 =	sld [smem:$0x3FBA];
	_ =	sdelay $0x3  }
0x37: {  	[smem:$0x3FBA] =	sst s10  }
0x38: {  	s10 =	sld [smem:$0x3FBB]  }
0x39: {  	_ = 	snop;
	(pc) =	sbr.ind lr, $3  }
0x3a: {  	_ = 	snop  }
0x3b: {  	_ = 	snop  }
0x3c: {  	p2 =	seq.s32 s10, $0x1;
	s10 =	sld [smem:$0x3FBA]  }
0x3d: {  	_ =	shalt  }
0x3e: {  	_ =	shalt  }
0x3f: {  	_ =	shalt  }
0x40: {  	_ =	shalt  }
0x41: {  	_ =	shalt  }
0x42: {  	_ =	shalt  }
0x43: {  	_ =	shalt  }
0x44: {  	_ =	shalt  }
0x45: {  	_ =	shalt  }
0x46: {  	_ =	shalt  }
0x47: {  	_ =	shalt  }
0x48: {  	_ =	shalt  }
0x49: {  	_ =	shalt  }
0x4a: {  	_ =	shalt  }
0x4b: {  	_ =	shalt  }
0x4c: {  	_ =	shalt  }
0x4d: {  	_ =	shalt  }
0x4e: {  	_ =	shalt  }
0x4f: {  	_ =	shalt  }
0x50: {  	_ =	shalt  }
0x51: {  	_ =	shalt  }
0x52: {  	_ =	shalt  }
0x53: {  	_ =	shalt  }
0x54: {  	_ =	shalt  }
0x55: {  	_ =	shalt  }
0x56: {  	_ =	shalt  }
0x57: {  	_ =	shalt  }
0x58: {  	_ =	shalt  }
0x59: {  	_ =	shalt  }
0x5a: {  	_ =	shalt  }
0x5b: {  	_ =	shalt  }
0x5c: {  	_ =	shalt  }
0x5d: {  	_ =	shalt  }
0x5e: {  	_ =	shalt  }
0x5f: {  	_ =	shalt  }
0x60: {  	_ =	shalt  }
0x61: {  	_ =	shalt  }
0x62: {  	_ =	shalt  }
0x63: {  	_ =	shalt  }
0x64: {  	_ =	shalt  }
0x65: {  	_ =	shalt  }
0x66: {  	_ =	shalt  }
0x67: {  	_ =	shalt  }
0x68: {  	_ =	shalt  }
0x69: {  	_ =	shalt  }
0x6a: {  	_ =	shalt  }
0x6b: {  	_ =	shalt  }
0x6c: {  	_ =	shalt  }
0x6d: {  	_ =	shalt  }
0x6e: {  	_ =	shalt  }
0x6f: {  	_ =	shalt  }
0x70: {  	_ =	shalt  }
0x71: {  	_ =	shalt  }
0x72: {  	_ =	shalt  }
0x73: {  	_ =	shalt  }
0x74: {  	_ =	shalt  }
0x75: {  	_ =	shalt  }
0x76: {  	_ =	shalt  }
0x77: {  	_ =	shalt  }
0x78: {  	_ =	shalt  }
0x79: {  	_ =	shalt  }
0x7a: {  	_ =	shalt  }
0x7b: {  	_ =	shalt  }
0x7c: {  	_ =	shalt  }
0x7d: {  	_ =	shalt  }
0x7e: {  	_ =	shalt  }
0x7f: {  	_ =	shalt  }
0x80: {  	_ =	shalt  }
0x81: {  	_ =	shalt  }
0x82: {  	_ =	shalt  }
0x83: {  	_ =	shalt  }
0x84: {  	_ =	shalt  }
0x85: {  	_ =	shalt  }
0x86: {  	_ =	shalt  }
0x87: {  	_ =	shalt  }
.Lfunc_end0:
.L_simem_size_0:
called_computation_lowered:
.L_overlay_start_0:
0x88: {  	s2 =	sld [smem:$0x3FD9]  }
0x89: {  	s3 =	sld [smem:$0x3FFE];
	_ =	sdelay $0x1  }
0x8a: {  	s1 =	srdreg.scid  }
0x8b: {  	s0 =	sand.u32 $0x1, s1  }
0x8c: {  	s17 =	sshll.u32 s0, $0xA;
	s2 =	sadd.s32 s3, s2  }
0x8d: {  	s2 =	sadd.s32 s2, s17  }
0x8e: {  	[smem:$0x3FC6] =	sst s2  }
0x8f: {  	_ = 	snop  }
0x90: {  	s2 =	sld [smem:$0x3FC9]  }
0x91: {  	s18 =	sld [smem:$0x3FD0];
	(tm) =	ssettm $0x1  }
0x92: {  	s4 =	sld [smem:$0x3FFB];
	_ =	sdelay $0x3  }
0x93: {  	_ =	strace s4  }
0x94: {  	s4 =	sld [smem:$0x3FFC];
	_ =	sdelay $0x3  }
0x95: {  	_ =	strace s4  }
0x96: {  	s4 =	sld [smem:$0x3FFD];
	_ =	sdelay $0x3  }
0x97: {  	_ =	strace s4  }
0x98: {  	_ =	strace $0x8FFFFFFF  }
0x99: {  	s19 =	sld [smem:$0x3FDB];
	_ =	sdelay $0x1  }
0x9a: {  	s5 =	simm.s32 $_scs_section_size  }
0x9b: {  	s6 =	simm.s32 $_size__tile_overlayer_lowered;
	s7 =	simm.s32 $_tile_overlayer_lowered  }
0x9c: {  	s22 =	simm.s32 $0x1BFF;
	s21 =	sshll.u32 s7, $0x1;
	s4 =	sadd.s32 s5, s19  }
0x9d: {  	s8 =	simm.s32 $0x0;
	s20 =	sshll.u32 s6, $0x1;
	s6 =	sadd.s32 s21, s4  }
0x9e: {  	[timem:s8], [sflag:s22] =	dma.local [hbm:s6], s20  }
0x9f: {  	_ =	swait.ge [sflag:s22], s20  }
0xa0: {  	s5 =	ssub.s32 $0x0, s20;
	[sflag:s22] =	ssyncset.done $0x0  }
0xa1: {  	[sflag:s22] =	ssyncadd.s32 s5;
	_ =	sdelay $0x1  }
0xa2: {  	s23 =	simm.s32 $0x1B8B  }
0xa3: {  	_ =	swait.ge [sflag:s23], $0x1  }
0xa4: {  	[sflag:s23] =	ssyncset.done $0x0  }
0xa5: {  	s25 =	simm.s32 $0x1B8E;
	s24 =	sld [smem:$0x3FFE];
	[sflag:s23] =	ssyncadd.s32 $0xFFFFFFFF  }
0xa6: {  	s26 =	simm.s32 $execute0_lowered;
	[smem:$0x3FD2] =	sst s25  }
0xa7: {  	s6 =	sshll.u32 s26, $0x1;
	_ =	strace $0x80000046;
	[dreg:$0x1] =	wrdreg $0xFFFFFFFF  }
0xa8: {  	s28 =	simm.s32 $_size_execute0_lowered;
	s4 =	sadd.s32 s4, s6;
	[dreg:$0x0] =	wrdreg $0x0  }
0xa9: {  	s6 =	sshll.u32 s28, $0x1;
	[dreg:$0x2] =	wrdreg s4  }
0xaa: {  	[dreg:$0x3] =	wrdreg s6  }
0xab: {  	[dreg:$0x4] =	wrdreg $0xC0  }
0xac: {  	_ =	task [dreg:s8], $0x5FFFF  }
0xad: {  	[dreg:$0x1] =	wrdreg $0xFFFFFFFF  }
0xae: {  	[dreg:$0x0] =	wrdreg $0x60  }
0xaf: {  	[dreg:$0x2] =	wrdreg s2  }
0xb0: {  	[dreg:$0x3] =	wrdreg s18  }
0xb1: {  	[dreg:$0x4] =	wrdreg s24  }
0xb2: {  	[dreg:$0x5] =	wrdreg $0x9  }
0xb3: {  	_ =	task.clear_ibuf [dreg:s8], $0x6FFFF;
	_ =	strace $0x90000046  }
0xb4: {  	s29 =	simm.s32 $0x9;
	_ =	strace $0x80000048  }
0xb5: {  	_ =	swait.ge [sflag:s29], $0x1  }
0xb6: {  	[sflag:s29] =	ssyncadd.s32 $0xFFFFFFFF  }
0xb7: {  	_ =	strace $0x90000048  }
0xb8: {  	_ =	sfence  }
0xb9: {  	s30 =	sld [smem:$0x0];
	_ =	sdelay $0x2  }
0xba: {  	s31 =	sshll.u32 s1, $0xD;
	s1 =	sshrl.u32 s1, $0x2  }
0xbb: {  	s3 =	sand.u32 $0x4000, s31;
	s1 =	sadd.s32 s1, s30  }
0xbc: {  	s0 =	sor.u32 s3, s0;
	s1 =	sshll.u32 s1, $0x11  }
0xbd: {  	s0 =	sor.u32 s1, s0  }
0xbe: {  	s0 =	sadd.s32 $0x8F2B, s0  }
0xbf: {  	[sflag:s0] =	ssyncadd.remote.s32 $0x1  }
0xc0: {  	_ =	sfence.sel $0xFFFF  }
0xc1: {  	[dreg:$0x0] =	wrdreg $0xFFFFFFFF;
	(pc) =	sbr.abs _section_cstart, $3  }
0xc2: {  	[dreg:$0x1] =	wrdreg $0xFFFFFFFF  }
0xc3: {  	_ =	task.clear_ibuf [dreg:s8], $0x2FFFF;
	_ =	strace $0x9FFFFFFF  }
0xc4: {  	(tm) =	ssettm $0x7FFFFFFF  }
0xc5: {  	_ =	shalt  }
tec
execute0_lowered:
.L_overlay_start_1:
0x0: {  	(tag) =	ssettag $0x1  }
0x1: {  	s1 =	rddreg [dreg:$0x0]  }
0x2: {  	s5 =	rddreg [dreg:$0x1]  }
0x3: {  	s4 =	rddreg [dreg:$0x2];
	s2 =	simm.s32 $0x0  }
0x4: {  	[smem:$0x7FF] =	sst s2  }
0x5: {  	s0 =	rddreg [dreg:$0x3];
	v0 =	vimm.f32 $4.700000000e+01;
	_ =	strace $0x80000047  }
0x6: {  	(erf) = vrcp.f32 v0;
	v0 =	vimm.f32 $2.000000000e+00  }
0x7: {  	s3 =	srdreg.scid;
	(erf) = vrcp.f32 v0  }
0x8: {  	s7 =	sand.u32 $0x1, s3  }
0x9: {  	s3 =	stileid.u32;
	s6 =	smul.u32 $0x62000, s7  }
0xa: {  	s13 =	simm.s32 $0xA280;
	s8 =	smul.u32 $0x6200, s3  }
0xb: {  	s14 =	simm.s32 $0x0;
	s9 =	smul.u32 $0x18800, s7;
	s10 =	ssub.s32 $0x2, s7  }
0xc: {  	s4 =	sadd.s32 $0x400, s4;
	s12 =	smul.u32 $0x1B000, s7;
	s11 =	sshrl.u32 s10, $0x1  }
0xd: {  	s31 =	smul.u32 $0x1880, s3;
	s6 =	sadd.s32 s8, s6;
	s10 =	ssub.s32 s10, s11  }
0xe: {  	s8 =	simm.s32 $0x2;
	s11 =	simm.s32 $0x6280;
	v2 =	vmov s12;
	s12 =	simm.s32 $0x1  }
0xf: {  	s6 =	sshrl.u32 s6, $0x3;
	s7 =	smax.u32 s10, $0x1;
	s10 =	simm.s32 $0x6200;
	v0 =	vpop (erf)  }
0x10: {  	v3 =	vimm.s32 $0x0;
	s5 =	sadd.s32 s5, s6;
	s6 =	sadd.s32 s31, s9;
	s9 =	simm.s32 $0x80;
	v1 =	vpop (erf)  }
.LBB2_1:
0x11: {  	[tilespmem:s2], [sflag:$0x2] =	stream.linear.gather [hbm4b:s5+s2], $0x6200, $0x38;
	[tilespmem:$0xAE80] =	vst v63  }
0x12: {  	_ =	swait.ge [sflag:s8], $0x6200  }
0x13: {  	[sflag:s8] =	ssyncset.done $0x0  }
0x14: {  	s15 =	simm.s32 $0x0;
	[sflag:s8] =	ssyncadd.s32 $0xFFFF9E00  }
.LBB2_2:
0x15: {  	s16 =	sshll.u32 s15, $0x4;
	s17 =	sshll.u32 s15, $0x6  }
0x16: {  	s18 =	sand.u32 $0x70, s16;
	s17 =	sand.u32 $0x7E00, s17  }
0x17: {  	s17 =	sor.u32 s18, s17  }
0x18: {  	v4 =	vld [tilespmem:s17+$0x0];
	_ =	sdelay $0x4  }
0x19: {  	v4 =	vadd.f32 v4, v4;
	_ =	sdelay $0x1  }
0x1a: {  	v6 =	vld [tilespmem:s17+$0x100];
	v4 =	vmul.f32 v4, v0  }
0x1b: {  	v5 =	vld [tilespmem:s17+$0x80]  }
0x1c: {  	v4 =	vadd.f32 $-1.000000000e+00, v4;
	_ =	sdelay $0x1  }
0x1d: {  	v4 =	vadd.f32 $1.000000000e+00, v4  }
0x1e: {  	v6 =	vadd.f32 v6, v6  }
0x1f: {  	v5 =	vadd.f32 v5, v5;
	v4 =	vmul.f32 $4.800000000e+01, v4  }
0x20: {  	v6 =	vmul.f32 v6, v0  }
0x21: {  	v5 =	vmul.f32 v5, v0;
	v4 =	vadd.f32 $-1.000000000e+00, v4  }
0x22: {  	v6 =	vadd.f32 $-1.000000000e+00, v6  }
0x23: {  	v5 =	vadd.f32 $-1.000000000e+00, v5;
	v4 =	vmul.f32 v4, v1  }
0x24: {  	v6 =	vadd.f32 $1.000000000e+00, v6  }
0x25: {  	v5 =	vadd.f32 $1.000000000e+00, v5;
	v7 =	vtrunc.f32 v4  }
0x26: {  	v6 =	vmul.f32 $4.800000000e+01, v6;
	v8 =	vcvt.f32.s32 v7;
	vm0 =	vlt.f32 v4, v7  }
0x27: {  	v5 =	vmul.f32 $4.800000000e+01, v5;
	v7 =	vsel vm0, $0xFFFFFFFF, v3  }
0x28: {  	v6 =	vadd.f32 $-1.000000000e+00, v6;
	v7 =	vadd.s32 v8, v7  }
0x29: {  	v5 =	vadd.f32 $-1.000000000e+00, v5;
	v8 =	vcvt.s32.f32 v7  }
0x2a: {  	v6 =	vmul.f32 v6, v1  }
0x2b: {  	v5 =	vmul.f32 v5, v1;
	v9 =	vadd.f32 $1.000000000e+00, v8  }
0x2c: {  	v13 =	vtrunc.f32 v6  }
0x2d: {  	v8 =	vsub.f32 v4, v8;
	v4 =	vsub.f32 v9, v4;
	v9 =	vtrunc.f32 v5  }
0x2e: {  	vm7 =	vlt.f32 v6, v13;
	v11 =	vcvt.f32.s32 v9;
	vm15 =	vlt.f32 v5, v9  }
0x2f: {  	v14 =	vcvt.f32.s32 v13;
	v13 =	vsel vm7, $0xFFFFFFFF, v3;
	v9 =	vsel vm15, $0xFFFFFFFF, v3  }
0x30: {  	v10 =	vadd.s32 $0x1, v7;
	vm1 =	vgt.s32 v7, $0x0;
	v9 =	vadd.s32 v11, v9  }
0x31: {  	vm4 =	vlt.u32 v7, $0x30;
	vm6 =	vgt.s32 v10, $0x0;
	v11 =	vcvt.s32.f32 v9  }
0x32: {  	v7 =	vnsel vm1, $0x0, v7;
	vm5 =	vlt.u32 v10, $0x30;
	v10 =	vnsel vm6, $0x0, v10  }
0x33: {  	v7 =	vmin.u32 v7, $0x2F;
	v10 =	vmin.u32 v10, $0x2F;
	v12 =	vadd.f32 $1.000000000e+00, v11  }
0x34: {  	v8 =	vnsel vm5, $0x0, v8;
	v4 =	vnsel vm4, $0x0, v4;
	vm8 =	vlt.u32 v9, $0x30  }
0x35: {  	vm10 =	vgt.s32 v9, $0x0;
	v12 =	vsub.f32 v12, v5;
	v5 =	vsub.f32 v5, v11  }
0x36: {  	v11 =	vadd.s32 v14, v13;
	v13 =	vadd.s32 $0x1, v9;
	v9 =	vnsel vm10, $0x0, v9  }
0x37: {  	vm9 =	vgt.s32 v11, $0x0;
	v14 =	vcvt.s32.f32 v11;
	vm11 =	vlt.u32 v13, $0x30  }
0x38: {  	vm12 =	vgt.s32 v13, $0x0;
	v9 =	vmin.u32 v9, $0x2F;
	v17 =	vadd.s32 $0x1, v11  }
0x39: {  	vm13 =	vlt.u32 v11, $0x30;
	v15 =	vnsel vm9, $0x0, v11;
	v16 =	vadd.f32 $1.000000000e+00, v14  }
0x3a: {  	v12 =	vnsel vm8, $0x0, v12;
	v5 =	vnsel vm11, $0x0, v5;
	v15 =	vmin.u32 v15, $0x2F  }
0x3b: {  	v13 =	vnsel vm12, $0x0, v13;
	v15 =	vmul.u32 $0x30, v15;
	v16 =	vsub.f32 v16, v6  }
0x3c: {  	vm15 =	vlt.u32 v17, $0x30;
	v11 =	vmul.f32 v12, v4;
	v6 =	vsub.f32 v6, v14  }
0x3d: {  	v13 =	vmin.u32 v13, $0x2F;
	v18 =	vadd.s32 v9, v15;
	v16 =	vnsel vm13, $0x0, v16  }
0x3e: {  	v18 =	vmul.u32 $0x30, v18;
	v6 =	vnsel vm15, $0x0, v6;
	v20 =	vmul.f32 v16, v11  }
0x3f: {  	vm14 =	vgt.s32 v17, $0x0;
	v15 =	vadd.s32 v13, v15;
	v11 =	vmul.f32 v11, v6  }
0x40: {  	v19 =	vnsel vm14, $0x0, v17;
	v15 =	vmul.u32 $0x30, v15;
	v18 =	vadd.s32 v2, v18;
	[tilespmem:$0xAA80] =	vst v20  }
0x41: {  	v12 =	vmul.f32 v12, v8;
	v4 =	vmul.f32 v5, v4;
	v21 =	vadd.s32 v7, v18;
	[tilespmem:$0xAC80] =	vst v11  }
0x42: {  	v19 =	vmin.u32 v19, $0x2F;
	v15 =	vadd.s32 v2, v15;
	v18 =	vadd.s32 v10, v18;
	[tilespmem:$0x6200] =	vst v21  }
0x43: {  	v5 =	vmul.f32 v5, v8;
	v19 =	vmul.u32 $0x30, v19;
	v8 =	vadd.s32 v7, v15;
	[tilespmem:$0x6210] =	vst v18  }
0x44: {  	v20 =	vmul.f32 v16, v4;
	v14 =	vadd.s32 v10, v15;
	[tilespmem:$0x6220] =	vst v8  }
0x45: {  	v9 =	vadd.s32 v9, v19;
	v4 =	vmul.f32 v6, v4;
	[tilespmem:$0x6230] =	vst v14  }
0x46: {  	v21 =	vmul.f32 v16, v12;
	v8 =	vmul.u32 $0x30, v9;
	[tilespmem:$0xAB80] =	vst v20  }
0x47: {  	v9 =	vmul.f32 v16, v5;
	[tilespmem:$0xAD80] =	vst v4  }
0x48: {  	[tilespmem:$0xAB00] =	vst v21;
	v8 =	vadd.s32 v2, v8  }
0x49: {  	v13 =	vadd.s32 v13, v19;
	v12 =	vmul.f32 v12, v6;
	[tilespmem:$0xAC00] =	vst v9;
	v9 =	vadd.s32 v7, v8  }
0x4a: {  	[tilespmem:$0x6240] =	vst v9;
	v9 =	vmul.u32 $0x30, v13  }
0x4b: {  	v5 =	vmul.f32 v6, v5;
	[tilespmem:$0xAD00] =	vst v12;
	v8 =	vadd.s32 v10, v8  }
0x4c: {  	[tilespmem:$0x6250] =	vst v8;
	v8 =	vadd.s32 v2, v9  }
0x4d: {  	[tilespmem:$0xAE00] =	vst v5;
	v7 =	vadd.s32 v7, v8  }
0x4e: {  	v4 =	vadd.s32 v10, v8;
	[tilespmem:$0x6260] =	vst v7  }
0x4f: {  	[tilespmem:$0x6270] =	vst v4  }
0x50: {  	[tilespmem:s11], [sflag:$0x1] =	stream.indirect.gather [hbm4b:s1+s9], $0x80, s10, s9, $0xb8;
	[tilespmem:$0xAE80] =	vst v63  }
0x51: {  	_ =	swait.ge [sflag:s12], $0x4000  }
0x52: {  	[sflag:s12] =	ssyncset.done $0x0  }
0x53: {  	[sflag:s12] =	ssyncadd.s32 $0xFFFFC000  }
0x54: {  	v4 =	vld [tilespmem:$0xAA80]  }
0x55: {  	v5 =	vld [tilespmem:$0xAB00]  }
0x56: {  	s31 =	simm.s32 $0x0;
	s17 =	simm.s32 $0x8280;
	v6 =	vld [tilespmem:$0xAB80]  }
0x57: {  	v7 =	vmov s31;
	v12 =	vld [tilespmem:s17+$0xFFFFE000]  }
0x58: {  	v8 =	vand.u32 $0xF, v7;
	v14 =	vld [tilespmem:s17+$0xFFFFE800]  }
0x59: {  	v19 =	vbroadcast v8, $0x0;
	v7 =	vld [tilespmem:$0xAC00]  }
0x5a: {  	v15 =	vld [tilespmem:s17+$0xFFFFF000]  }
0x5b: {  	v8 =	vld [tilespmem:$0xAC80];
	v13 =	vperm.xlane v4, v19;
	v11 =	vperm.xlane v5, v19  }
0x5c: {  	v16 =	vld [tilespmem:s17+$0xFFFFF800];
	v10 =	vperm.xlane v6, v19  }
0x5d: {  	v9 =	vld [tilespmem:$0xAD00];
	v17 =	vmul.f32 v12, v13;
	v18 =	vmul.f32 v14, v11  }
0x5e: {  	v20 =	vld [tilespmem:s17+$0x0]  }
0x5f: {  	v22 =	vld [tilespmem:s17+$0x800];
	v14 =	vperm.xlane v7, v19;
	v21 =	vmul.f32 v15, v10;
	v17 =	vadd.f32 v18, v17  }
0x60: {  	v12 =	vld [tilespmem:$0xAD80]  }
0x61: {  	v23 =	vld [tilespmem:s17+$0x1000];
	v18 =	vmul.f32 v16, v14;
	v16 =	vperm.xlane v8, v19;
	v21 =	vadd.f32 v21, v17  }
0x62: {  	v15 =	vld [tilespmem:$0xAE00]  }
0x63: {  	v17 =	vperm.xlane v9, v19;
	v20 =	vmul.f32 v20, v16;
	v21 =	vadd.f32 v18, v21  }
0x64: {  	v24 =	vld [tilespmem:s17+$0x1800]  }
0x65: {  	v18 =	vperm.xlane v12, v19;
	v20 =	vadd.f32 v20, v21;
	v21 =	vmul.f32 v22, v17;
	_ =	sdelay $0x1  }
0x66: {  	v19 =	vperm.xlane v15, v19;
	v20 =	vadd.f32 v21, v20;
	v21 =	vmul.f32 v23, v18;
	_ =	sdelay $0x1  }
0x67: {  	v20 =	vadd.f32 v21, v20;
	v21 =	vmul.f32 v24, v19;
	_ =	sdelay $0x1  }
0x68: {  	v20 =	vadd.f32 v21, v20  }
0x69: {  	s18 =	simm.s32 $0xA2C0  }
0x6a: {  	[tilespmem:s18+$0xFFFFFFC0] =	vst v20  }
0x6b: {  	v20 =	vld [tilespmem:s17+$0xFFFFE010]  }
0x6c: {  	v21 =	vld [tilespmem:s17+$0xFFFFE810];
	_ =	sdelay $0x1  }
0x6d: {  	v22 =	vld [tilespmem:s17+$0xFFFFF010];
	_ =	sdelay $0x1  }
0x6e: {  	v23 =	vld [tilespmem:s17+$0xFFFFF810]  }
0x6f: {  	v20 =	vmul.f32 v20, v13;
	v21 =	vmul.f32 v21, v11  }
0x70: {  	v52 =	vld [tilespmem:s17+$0x10]  }
0x71: {  	v20 =	vadd.f32 v21, v20;
	v21 =	vmul.f32 v22, v10  }
0x72: {  	v22 =	vld [tilespmem:s17+$0x810]  }
0x73: {  	v23 =	vmul.f32 v23, v14;
	v20 =	vadd.f32 v21, v20  }
0x74: {  	v21 =	vld [tilespmem:s17+$0x1010]  }
0x75: {  	v20 =	vadd.f32 v23, v20;
	v23 =	vmul.f32 v52, v16  }
0x76: {  	v53 =	vld [tilespmem:s17+$0x1810]  }
0x77: {  	v22 =	vmul.f32 v22, v17;
	v20 =	vadd.f32 v23, v20;
	_ =	sdelay $0x1  }
0x78: {  	v21 =	vmul.f32 v21, v18;
	v20 =	vadd.f32 v22, v20;
	_ =	sdelay $0x1  }
0x79: {  	v20 =	vadd.f32 v21, v20;
	v21 =	vmul.f32 v53, v19;
	_ =	sdelay $0x1  }
0x7a: {  	v20 =	vadd.f32 v21, v20;
	_ =	sdelay $0x1  }
0x7b: {  	[tilespmem:s18+$0xFFFFFFD0] =	vst v20  }
0x7c: {  	v20 =	vld [tilespmem:s17+$0xFFFFE020]  }
0x7d: {  	v21 =	vld [tilespmem:s17+$0xFFFFE820];
	_ =	sdelay $0x1  }
0x7e: {  	v22 =	vld [tilespmem:s17+$0xFFFFF020];
	_ =	sdelay $0x1  }
0x7f: {  	v23 =	vld [tilespmem:s17+$0xFFFFF820]  }
0x80: {  	v20 =	vmul.f32 v20, v13;
	v21 =	vmul.f32 v21, v11  }
0x81: {  	v54 =	vld [tilespmem:s17+$0x20]  }
0x82: {  	v20 =	vadd.f32 v21, v20;
	v21 =	vmul.f32 v22, v10  }
0x83: {  	v22 =	vld [tilespmem:s17+$0x820]  }
0x84: {  	v20 =	vadd.f32 v21, v20;
	v21 =	vmul.f32 v23, v14  }
0x85: {  	v23 =	vld [tilespmem:s17+$0x1020]  }
0x86: {  	v20 =	vadd.f32 v21, v20;
	v21 =	vmul.f32 v54, v16  }
0x87: {  	v55 =	vld [tilespmem:s17+$0x1820]  }
0x88: {  	v20 =	vadd.f32 v21, v20;
	v21 =	vmul.f32 v22, v17;
	_ =	sdelay $0x1  }
0x89: {  	v20 =	vadd.f32 v21, v20;
	v21 =	vmul.f32 v23, v18;
	_ =	sdelay $0x1  }
0x8a: {  	v20 =	vadd.f32 v21, v20;
	v21 =	vmul.f32 v55, v19;
	_ =	sdelay $0x1  }
0x8b: {  	v20 =	vadd.f32 v21, v20;
	_ =	sdelay $0x1  }
0x8c: {  	[tilespmem:s18+$0xFFFFFFE0] =	vst v20  }
0x8d: {  	v20 =	vld [tilespmem:s17+$0xFFFFE030]  }
0x8e: {  	v21 =	vld [tilespmem:s17+$0xFFFFE830];
	_ =	sdelay $0x1  }
0x8f: {  	v22 =	vld [tilespmem:s17+$0xFFFFF030];
	_ =	sdelay $0x1  }
0x90: {  	v23 =	vld [tilespmem:s17+$0xFFFFF830]  }
0x91: {  	v20 =	vmul.f32 v20, v13;
	v21 =	vmul.f32 v21, v11  }
0x92: {  	v56 =	vld [tilespmem:s17+$0x30]  }
0x93: {  	v20 =	vadd.f32 v21, v20;
	v21 =	vmul.f32 v22, v10  }
0x94: {  	v22 =	vld [tilespmem:s17+$0x830]  }
0x95: {  	v20 =	vadd.f32 v21, v20;
	v21 =	vmul.f32 v23, v14  }
0x96: {  	v23 =	vld [tilespmem:s17+$0x1030]  }
0x97: {  	v20 =	vadd.f32 v21, v20;
	v21 =	vmul.f32 v56, v16  }
0x98: {  	v57 =	vld [tilespmem:s17+$0x1830]  }
0x99: {  	v20 =	vadd.f32 v21, v20;
	v21 =	vmul.f32 v22, v17;
	_ =	sdelay $0x1  }
0x9a: {  	v20 =	vadd.f32 v21, v20;
	v21 =	vmul.f32 v23, v18;
	_ =	sdelay $0x1  }
0x9b: {  	v20 =	vadd.f32 v21, v20;
	v21 =	vmul.f32 v57, v19;
	_ =	sdelay $0x1  }
0x9c: {  	v20 =	vadd.f32 v21, v20;
	_ =	sdelay $0x1  }
0x9d: {  	[tilespmem:s18+$0xFFFFFFF0] =	vst v20  }
0x9e: {  	v20 =	vld [tilespmem:s17+$0xFFFFE040]  }
0x9f: {  	v21 =	vld [tilespmem:s17+$0xFFFFE840];
	_ =	sdelay $0x1  }
0xa0: {  	v22 =	vld [tilespmem:s17+$0xFFFFF040];
	_ =	sdelay $0x1  }
0xa1: {  	v23 =	vld [tilespmem:s17+$0xFFFFF840]  }
0xa2: {  	v20 =	vmul.f32 v20, v13;
	v21 =	vmul.f32 v21, v11  }
0xa3: {  	v58 =	vld [tilespmem:s17+$0x40]  }
0xa4: {  	v20 =	vadd.f32 v21, v20;
	v21 =	vmul.f32 v22, v10  }
0xa5: {  	v22 =	vld [tilespmem:s17+$0x840]  }
0xa6: {  	v20 =	vadd.f32 v21, v20;
	v21 =	vmul.f32 v23, v14  }
0xa7: {  	v23 =	vld [tilespmem:s17+$0x1040]  }
0xa8: {  	v20 =	vadd.f32 v21, v20;
	v21 =	vmul.f32 v58, v16  }
0xa9: {  	v59 =	vld [tilespmem:s17+$0x1840]  }
0xaa: {  	v20 =	vadd.f32 v21, v20;
	v21 =	vmul.f32 v22, v17;
	_ =	sdelay $0x1  }
0xab: {  	v20 =	vadd.f32 v21, v20;
	v21 =	vmul.f32 v23, v18;
	_ =	sdelay $0x1  }
0xac: {  	v20 =	vadd.f32 v21, v20;
	v21 =	vmul.f32 v59, v19;
	_ =	sdelay $0x1  }
0xad: {  	v20 =	vadd.f32 v21, v20;
	_ =	sdelay $0x1  }
0xae: {  	[tilespmem:s18+$0x0] =	vst v20  }
0xaf: {  	v20 =	vld [tilespmem:s17+$0xFFFFE050]  }
0xb0: {  	v21 =	vld [tilespmem:s17+$0xFFFFE850];
	_ =	sdelay $0x1  }
0xb1: {  	v22 =	vld [tilespmem:s17+$0xFFFFF050];
	_ =	sdelay $0x1  }
0xb2: {  	v23 =	vld [tilespmem:s17+$0xFFFFF850]  }
0xb3: {  	v20 =	vmul.f32 v20, v13;
	v21 =	vmul.f32 v21, v11  }
0xb4: {  	v60 =	vld [tilespmem:s17+$0x50]  }
0xb5: {  	v22 =	vmul.f32 v22, v10;
	v20 =	vadd.f32 v21, v20  }
0xb6: {  	v21 =	vld [tilespmem:s17+$0x850]  }
0xb7: {  	v23 =	vmul.f32 v23, v14;
	v20 =	vadd.f32 v22, v20  }
0xb8: {  	v22 =	vld [tilespmem:s17+$0x1050]  }
0xb9: {  	v20 =	vadd.f32 v23, v20;
	v23 =	vmul.f32 v60, v16  }
0xba: {  	v61 =	vld [tilespmem:s17+$0x1850]  }
0xbb: {  	v21 =	vmul.f32 v21, v17;
	v20 =	vadd.f32 v23, v20;
	_ =	sdelay $0x1  }
0xbc: {  	v20 =	vadd.f32 v21, v20;
	v21 =	vmul.f32 v22, v18;
	_ =	sdelay $0x1  }
0xbd: {  	v20 =	vadd.f32 v21, v20;
	v21 =	vmul.f32 v61, v19;
	_ =	sdelay $0x1  }
0xbe: {  	v20 =	vadd.f32 v21, v20;
	_ =	sdelay $0x1  }
0xbf: {  	[tilespmem:s18+$0x10] =	vst v20  }
0xc0: {  	v20 =	vld [tilespmem:s17+$0xFFFFE060]  }
0xc1: {  	v21 =	vld [tilespmem:s17+$0xFFFFE860];
	_ =	sdelay $0x1  }
0xc2: {  	v22 =	vld [tilespmem:s17+$0xFFFFF060];
	_ =	sdelay $0x1  }
0xc3: {  	v23 =	vld [tilespmem:s17+$0xFFFFF860]  }
0xc4: {  	v20 =	vmul.f32 v20, v13;
	v21 =	vmul.f32 v21, v11  }
0xc5: {  	v62 =	vld [tilespmem:s17+$0x60]  }
0xc6: {  	v22 =	vmul.f32 v22, v10;
	v20 =	vadd.f32 v21, v20  }
0xc7: {  	v21 =	vld [tilespmem:s17+$0x860]  }
0xc8: {  	v23 =	vmul.f32 v23, v14;
	v20 =	vadd.f32 v22, v20  }
0xc9: {  	v22 =	vld [tilespmem:s17+$0x1060]  }
0xca: {  	v20 =	vadd.f32 v23, v20;
	v23 =	vmul.f32 v62, v16  }
0xcb: {  	v63 =	vld [tilespmem:s17+$0x1860]  }
0xcc: {  	v21 =	vmul.f32 v21, v17;
	v20 =	vadd.f32 v23, v20;
	_ =	sdelay $0x1  }
0xcd: {  	v20 =	vadd.f32 v21, v20;
	v21 =	vmul.f32 v22, v18;
	_ =	sdelay $0x1  }
0xce: {  	v20 =	vadd.f32 v21, v20;
	v21 =	vmul.f32 v63, v19;
	_ =	sdelay $0x1  }
0xcf: {  	s21 =	simm.s32 $0x1;
	s19 =	simm.s32 $0xA2C0;
	s20 =	simm.s32 $0x8280;
	v20 =	vadd.f32 v21, v20  }
.LBB2_3:
0xd0: {  	p0 =	sne.s32 s21, $0xF;
	s17 =	sadd.s32 $0x80, s17;
	s18 =	sadd.s32 $0x80, s18  }
0xd1: {  	s22 =	smov.u32 s21;
	s21 =	sadd.s32 $0x1, s21;
	[tilespmem:s19+$0x20] =	vst v20  }
0xd2: {  	v20 =	vld [tilespmem:s20+$0xFFFFE070]  }
0xd3: {  	v21 =	vld [tilespmem:s20+$0xFFFFE870]  }
0xd4: {  	v22 =	vld [tilespmem:s20+$0xFFFFF070]  }
0xd5: {  	v23 =	vld [tilespmem:s20+$0xFFFFF870]  }
0xd6: {  	v24 =	vld [tilespmem:s20+$0x70]  }
0xd7: {  	v13 =	vmul.f32 v20, v13;
	v20 =	vld [tilespmem:s20+$0x870]  }
0xd8: {  	v25 =	vmov s22;
	v11 =	vmul.f32 v21, v11;
	v21 =	vld [tilespmem:s20+$0x1070]  }
0xd9: {  	v25 =	vand.u32 $0xF, v25;
	v10 =	vmul.f32 v22, v10;
	v22 =	vld [tilespmem:s20+$0x1870];
	s20 =	smov.u32 s17  }
0xda: {  	v25 =	vbroadcast v25, $0x0;
	v26 =	vadd.f32 v11, v13;
	v14 =	vmul.f32 v23, v14;
	_ =	sdelay $0x1  }
0xdb: {  	v13 =	vperm.xlane v4, v25;
	v11 =	vperm.xlane v5, v25;
	v23 =	vadd.f32 v10, v26  }
0xdc: {  	v16 =	vmul.f32 v24, v16;
	v10 =	vperm.xlane v6, v25  }
0xdd: {  	v14 =	vadd.f32 v14, v23  }
0xde: {  	v17 =	vmul.f32 v20, v17  }
0xdf: {  	v16 =	vadd.f32 v16, v14  }
0xe0: {  	v18 =	vmul.f32 v21, v18;
	v14 =	vperm.xlane v7, v25  }
0xe1: {  	v16 =	vadd.f32 v17, v16  }
0xe2: {  	v17 =	vmul.f32 v22, v19  }
0xe3: {  	v16 =	vadd.f32 v18, v16;
	_ =	sdelay $0x1  }
0xe4: {  	v16 =	vadd.f32 v17, v16;
	_ =	sdelay $0x1  }
0xe5: {  	[tilespmem:s19+$0x30] =	vst v16;
	s19 =	smov.u32 s18  }
0xe6: {  	v16 =	vld [tilespmem:s17+$0xFFFFE000]  }
0xe7: {  	v17 =	vld [tilespmem:s17+$0xFFFFE800]  }
0xe8: {  	v18 =	vld [tilespmem:s17+$0xFFFFF000]  }
0xe9: {  	v19 =	vld [tilespmem:s17+$0xFFFFF800];
	_ =	sdelay $0x1  }
0xea: {  	v16 =	vmul.f32 v16, v13  }
0xeb: {  	v17 =	vmul.f32 v17, v11  }
0xec: {  	v18 =	vmul.f32 v18, v10;
	v20 =	vld [tilespmem:s17+$0x0]  }
0xed: {  	v17 =	vadd.f32 v17, v16;
	v19 =	vmul.f32 v19, v14  }
0xee: {  	v21 =	vld [tilespmem:s17+$0x800]  }
0xef: {  	v16 =	vperm.xlane v8, v25;
	v18 =	vadd.f32 v18, v17  }
0xf0: {  	v22 =	vld [tilespmem:s17+$0x1000]  }
0xf1: {  	v17 =	vperm.xlane v9, v25;
	v19 =	vadd.f32 v19, v18;
	v20 =	vmul.f32 v20, v16  }
0xf2: {  	v23 =	vld [tilespmem:s17+$0x1800]  }
0xf3: {  	v18 =	vperm.xlane v12, v25;
	v20 =	vadd.f32 v20, v19;
	v21 =	vmul.f32 v21, v17;
	_ =	sdelay $0x1  }
0xf4: {  	v19 =	vperm.xlane v15, v25;
	v20 =	vadd.f32 v21, v20;
	v21 =	vmul.f32 v22, v18;
	_ =	sdelay $0x1  }
0xf5: {  	v20 =	vadd.f32 v21, v20;
	v21 =	vmul.f32 v23, v19;
	_ =	sdelay $0x1  }
0xf6: {  	v20 =	vadd.f32 v21, v20;
	_ =	sdelay $0x1  }
0xf7: {  	[tilespmem:s18+$0xFFFFFFC0] =	vst v20  }
0xf8: {  	v20 =	vld [tilespmem:s17+$0xFFFFE010]  }
0xf9: {  	v21 =	vld [tilespmem:s17+$0xFFFFE810]  }
0xfa: {  	v22 =	vld [tilespmem:s17+$0xFFFFF810]  }
0xfb: {  	v23 =	vld [tilespmem:s17+$0xFFFFF010];
	_ =	sdelay $0x1  }
0xfc: {  	v20 =	vmul.f32 v20, v13  }
0xfd: {  	v21 =	vmul.f32 v21, v11  }
0xfe: {  	v22 =	vmul.f32 v22, v14;
	v24 =	vld [tilespmem:s17+$0x10]  }
0xff: {  	v20 =	vadd.f32 v21, v20;
	v21 =	vmul.f32 v23, v10  }
0x100: {  	v23 =	vld [tilespmem:s17+$0x810]  }
0x101: {  	v20 =	vadd.f32 v21, v20  }
0x102: {  	v21 =	vld [tilespmem:s17+$0x1010]  }
0x103: {  	v20 =	vadd.f32 v22, v20;
	v22 =	vmul.f32 v24, v16  }
0x104: {  	v24 =	vld [tilespmem:s17+$0x1810]  }
0x105: {  	v20 =	vadd.f32 v22, v20;
	v22 =	vmul.f32 v23, v17;
	_ =	sdelay $0x1  }
0x106: {  	v20 =	vadd.f32 v22, v20;
	v21 =	vmul.f32 v21, v18;
	_ =	sdelay $0x1  }
0x107: {  	v20 =	vadd.f32 v21, v20;
	v21 =	vmul.f32 v24, v19;
	_ =	sdelay $0x1  }
0x108: {  	v20 =	vadd.f32 v21, v20;
	_ =	sdelay $0x1  }
0x109: {  	[tilespmem:s18+$0xFFFFFFD0] =	vst v20  }
0x10a: {  	v20 =	vld [tilespmem:s17+$0xFFFFE020]  }
0x10b: {  	v21 =	vld [tilespmem:s17+$0xFFFFE820];
	_ =	sdelay $0x1  }
0x10c: {  	v22 =	vld [tilespmem:s17+$0xFFFFF020];
	_ =	sdelay $0x1  }
0x10d: {  	v20 =	vmul.f32 v20, v13;
	v23 =	vld [tilespmem:s17+$0xFFFFF820]  }
0x10e: {  	v21 =	vmul.f32 v21, v11  }
0x10f: {  	v24 =	vld [tilespmem:s17+$0x20]  }
0x110: {  	v20 =	vadd.f32 v21, v20;
	v21 =	vmul.f32 v22, v10  }
0x111: {  	v22 =	vld [tilespmem:s17+$0x820]  }
0x112: {  	v20 =	vadd.f32 v21, v20;
	v21 =	vmul.f32 v23, v14  }
0x113: {  	v23 =	vld [tilespmem:s17+$0x1020]  }
0x114: {  	v20 =	vadd.f32 v21, v20;
	v21 =	vmul.f32 v24, v16  }
0x115: {  	v24 =	vld [tilespmem:s17+$0x1820]  }
0x116: {  	v20 =	vadd.f32 v21, v20;
	v21 =	vmul.f32 v22, v17;
	_ =	sdelay $0x1  }
0x117: {  	v20 =	vadd.f32 v21, v20;
	v21 =	vmul.f32 v23, v18;
	_ =	sdelay $0x1  }
0x118: {  	v20 =	vadd.f32 v21, v20;
	v21 =	vmul.f32 v24, v19;
	_ =	sdelay $0x1  }
0x119: {  	v20 =	vadd.f32 v21, v20;
	_ =	sdelay $0x1  }
0x11a: {  	[tilespmem:s18+$0xFFFFFFE0] =	vst v20  }
0x11b: {  	v20 =	vld [tilespmem:s17+$0xFFFFE030]  }
0x11c: {  	v21 =	vld [tilespmem:s17+$0xFFFFE830];
	_ =	sdelay $0x1  }
0x11d: {  	v22 =	vld [tilespmem:s17+$0xFFFFF030];
	_ =	sdelay $0x1  }
0x11e: {  	v20 =	vmul.f32 v20, v13;
	v23 =	vld [tilespmem:s17+$0xFFFFF830]  }
0x11f: {  	v21 =	vmul.f32 v21, v11  }
0x120: {  	v24 =	vld [tilespmem:s17+$0x30]  }
0x121: {  	v20 =	vadd.f32 v21, v20;
	v21 =	vmul.f32 v22, v10  }
0x122: {  	v22 =	vld [tilespmem:s17+$0x830]  }
0x123: {  	v20 =	vadd.f32 v21, v20;
	v21 =	vmul.f32 v23, v14  }
0x124: {  	v23 =	vld [tilespmem:s17+$0x1030]  }
0x125: {  	v20 =	vadd.f32 v21, v20;
	v21 =	vmul.f32 v24, v16  }
0x126: {  	v24 =	vld [tilespmem:s17+$0x1830]  }
0x127: {  	v20 =	vadd.f32 v21, v20;
	v21 =	vmul.f32 v22, v17;
	_ =	sdelay $0x1  }
0x128: {  	v20 =	vadd.f32 v21, v20;
	v21 =	vmul.f32 v23, v18;
	_ =	sdelay $0x1  }
0x129: {  	v20 =	vadd.f32 v21, v20;
	v21 =	vmul.f32 v24, v19;
	_ =	sdelay $0x1  }
0x12a: {  	v20 =	vadd.f32 v21, v20;
	_ =	sdelay $0x1  }
0x12b: {  	[tilespmem:s18+$0xFFFFFFF0] =	vst v20  }
0x12c: {  	v20 =	vld [tilespmem:s17+$0xFFFFE040]  }
0x12d: {  	v21 =	vld [tilespmem:s17+$0xFFFFE840];
	_ =	sdelay $0x1  }
0x12e: {  	v22 =	vld [tilespmem:s17+$0xFFFFF040];
	_ =	sdelay $0x1  }
0x12f: {  	v20 =	vmul.f32 v20, v13;
	v23 =	vld [tilespmem:s17+$0xFFFFF840]  }
0x130: {  	v21 =	vmul.f32 v21, v11  }
0x131: {  	v24 =	vld [tilespmem:s17+$0x40]  }
0x132: {  	v20 =	vadd.f32 v21, v20;
	v21 =	vmul.f32 v22, v10  }
0x133: {  	v22 =	vld [tilespmem:s17+$0x840]  }
0x134: {  	v20 =	vadd.f32 v21, v20;
	v21 =	vmul.f32 v23, v14  }
0x135: {  	v23 =	vld [tilespmem:s17+$0x1040]  }
0x136: {  	v20 =	vadd.f32 v21, v20;
	v21 =	vmul.f32 v24, v16  }
0x137: {  	v24 =	vld [tilespmem:s17+$0x1840]  }
0x138: {  	v20 =	vadd.f32 v21, v20;
	v21 =	vmul.f32 v22, v17;
	_ =	sdelay $0x1  }
0x139: {  	v20 =	vadd.f32 v21, v20;
	v21 =	vmul.f32 v23, v18;
	_ =	sdelay $0x1  }
0x13a: {  	v20 =	vadd.f32 v21, v20;
	v21 =	vmul.f32 v24, v19;
	_ =	sdelay $0x1  }
0x13b: {  	v20 =	vadd.f32 v21, v20;
	_ =	sdelay $0x1  }
0x13c: {  	[tilespmem:s18+$0x0] =	vst v20  }
0x13d: {  	v20 =	vld [tilespmem:s17+$0xFFFFE050]  }
0x13e: {  	v21 =	vld [tilespmem:s17+$0xFFFFE850]  }
0x13f: {  	v22 =	vld [tilespmem:s17+$0xFFFFF050]  }
0x140: {  	v23 =	vld [tilespmem:s17+$0xFFFFF850]  }
0x141: {  	v24 =	vld [tilespmem:s17+$0x50]  }
0x142: {  	v20 =	vmul.f32 v20, v13;
	v25 =	vld [tilespmem:s17+$0x850]  }
0x143: {  	v21 =	vmul.f32 v21, v11;
	v26 =	vld [tilespmem:s17+$0x1050]  }
0x144: {  	v22 =	vmul.f32 v22, v10;
	v27 =	vld [tilespmem:s17+$0x1850]  }
0x145: {  	v20 =	vadd.f32 v21, v20;
	v21 =	vmul.f32 v23, v14;
	_ =	sdelay $0x1  }
0x146: {  	v20 =	vadd.f32 v22, v20;
	_ =	sdelay $0x1  }
0x147: {  	v20 =	vadd.f32 v21, v20;
	v21 =	vmul.f32 v24, v16;
	_ =	sdelay $0x1  }
0x148: {  	v20 =	vadd.f32 v21, v20;
	v21 =	vmul.f32 v25, v17;
	_ =	sdelay $0x1  }
0x149: {  	v20 =	vadd.f32 v21, v20;
	v21 =	vmul.f32 v26, v18;
	_ =	sdelay $0x1  }
0x14a: {  	v20 =	vadd.f32 v21, v20;
	v21 =	vmul.f32 v27, v19;
	_ =	sdelay $0x1  }
0x14b: {  	v20 =	vadd.f32 v21, v20;
	_ =	sdelay $0x1  }
0x14c: {  	[tilespmem:s18+$0x10] =	vst v20  }
0x14d: {  	v20 =	vld [tilespmem:s17+$0xFFFFE060]  }
0x14e: {  	v21 =	vld [tilespmem:s17+$0xFFFFE860]  }
0x14f: {  	v22 =	vld [tilespmem:s17+$0xFFFFF060]  }
0x150: {  	v23 =	vld [tilespmem:s17+$0xFFFFF860]  }
0x151: {  	v24 =	vld [tilespmem:s17+$0x60]  }
0x152: {  	v20 =	vmul.f32 v20, v13;
	v25 =	vld [tilespmem:s17+$0x860]  }
0x153: {  	v21 =	vmul.f32 v21, v11;
	v26 =	vld [tilespmem:s17+$0x1060]  }
0x154: {  	v22 =	vmul.f32 v22, v10;
	v27 =	vld [tilespmem:s17+$0x1860]  }
0x155: {  	v20 =	vadd.f32 v21, v20;
	v21 =	vmul.f32 v23, v14;
	_ =	sdelay $0x1  }
0x156: {  	v20 =	vadd.f32 v22, v20;
	_ =	sdelay $0x1  }
0x157: {  	v20 =	vadd.f32 v21, v20;
	v21 =	vmul.f32 v24, v16;
	_ =	sdelay $0x1  }
0x158: {  	v20 =	vadd.f32 v21, v20;
	v21 =	vmul.f32 v25, v17;
	_ =	sdelay $0x1  }
.Ltmp0:
0x159: {  	v20 =	vadd.f32 v21, v20;
	v21 =	vmul.f32 v26, v18;
	(pc) =	sbr.rel @p0 .LBB2_3-.Ltmp0, $3  }
0x15a: {  	_ = 	snop  }
0x15b: {  	v20 =	vadd.f32 v21, v20;
	v21 =	vmul.f32 v27, v19;
	_ =	sdelay $0x1  }
0x15c: {  	v20 =	vadd.f32 v21, v20  }
0x15d: {  	_ = 	snop  }
0x15e: {  	[tilespmem:s19+$0x20] =	vst v20  }
0x15f: {  	v4 =	vld [tilespmem:s20+$0xFFFFE070]  }
0x160: {  	v5 =	vld [tilespmem:s20+$0xFFFFE870];
	_ =	sdelay $0x1  }
0x161: {  	v6 =	vld [tilespmem:s20+$0xFFFFF070];
	_ =	sdelay $0x1  }
0x162: {  	v7 =	vld [tilespmem:s20+$0xFFFFF870]  }
0x163: {  	v4 =	vmul.f32 v4, v13;
	v5 =	vmul.f32 v5, v11  }
0x164: {  	v8 =	vld [tilespmem:s20+$0x70]  }
0x165: {  	v6 =	vmul.f32 v6, v10;
	v4 =	vadd.f32 v5, v4  }
0x166: {  	v5 =	vld [tilespmem:s20+$0x870]  }
0x167: {  	v7 =	vmul.f32 v7, v14;
	v4 =	vadd.f32 v6, v4  }
0x168: {  	v62 =	vld [tilespmem:s20+$0x1070]  }
0x169: {  	v8 =	vmul.f32 v8, v16;
	v4 =	vadd.f32 v7, v4  }
0x16a: {  	v63 =	vld [tilespmem:s20+$0x1870]  }
0x16b: {  	v5 =	vmul.f32 v5, v17;
	v4 =	vadd.f32 v8, v4;
	_ =	sdelay $0x1  }
0x16c: {  	v6 =	vmul.f32 v62, v18;
	v4 =	vadd.f32 v5, v4;
	_ =	sdelay $0x1  }
0x16d: {  	v5 =	vmul.f32 v63, v19;
	v4 =	vadd.f32 v6, v4;
	_ =	sdelay $0x1  }
0x16e: {  	s16 =	sadd.s32 s16, s6;
	s15 =	sadd.s32 $0x1, s15;
	v4 =	vadd.f32 v5, v4  }
0x16f: {  	s16 =	sshll.u32 s16, $0x4;
	p0 =	sne.s32 s15, $0x188  }
.Ltmp1:
0x170: {  	s16 =	sadd.s32 s4, s16;
	[tilespmem:s19+$0x30] =	vst v4;
	(pc) =	sbr.rel @p0 .LBB2_2-.Ltmp1, $4  }
0x171: {  	[hbm4b:s16+s2] =	stream.linear.scatter [tilespmem:s13], [sflag:$0x2], $0x800, $0x38;
	[tilespmem:$0xAE80] =	vst v63  }
0x172: {  	_ =	swait.ge [sflag:s8], $0x800  }
0x173: {  	[sflag:s8] =	ssyncset.done $0x0  }
0x174: {  	[sflag:s8] =	ssyncadd.s32 $0xFFFFF800  }
0x175: {  	s14 =	sadd.s32 $0x1, s14  }
0x176: {  	p0 =	sne.s32 s14, s7  }
.Ltmp2:
0x177: {  	_ = 	snop;
	(pc) =	sbr.rel @p0 .LBB2_1-.Ltmp2, $1  }
0x178: {  	_ =	sdelay $0x3  }
0x179: {  	_ =	sfence.sel $0x180000  }
0x17a: {  	[bflag:$0x0] =	sbarrier.arrive $0xFFFF  }
0x17b: {  	p0 =	sne.s32 s3, $0x0;
	_ =	strace $0x90000047  }
0x17c: {  	s0 =	sadd.s32 @!p0 $0x100000, s0;
	[bflag:$0x2] =	sbarrier.arrive $0xFFFF  }
0x17d: {  	[sflag:s0] =	ssyncadd.tile.s32 @!p0 $0x1;
	_ =	shalt  }
.Lfunc_end2:
_tile_overlayer_lowered:
.L_overlay_start_2:
0x17e: {  	(tag) =	ssettag $0x2  }
0x17f: {  	s0 =	rddreg [dreg:$0x0];
	s2 =	stileid.u32  }
0x180: {  	s1 =	rddreg [dreg:$0x1];
	p0 =	sne.s32 s2, $0x0  }
0x181: {  	s3 =	rddreg [dreg:$0x2];
	[bflag:$0x3] =	sbarrier.arrive $0xFFFF;
	s2 =	simm.s32 @!p0 $0x1C02  }
0x182: {  	[timem:s3], [sflag:s2] =	dma.local @!p0 [hbm:s0], s1  }
0x183: {  	s0 =	simm.s32 @!p0 $0x2  }
0x184: {  	_ =	swait.ge @!p0 [sflag:s0], s1  }
0x185: {  	s1 =	ssub.s32 @!p0 $0x0, s1;
	[sflag:s0] =	ssyncset.done @!p0 $0x0  }
0x186: {  	[sflag:s0] =	ssyncadd.s32 @!p0 s1  }
0x187: {  	[bflag:$0x3] =	sbarrier.arrive $0xFFFF  }
0x188: {  	_ =	shalt  }

</sc_bundles>
